<compile_context>
chip_gen: v7x
topology: tpu7x:2x2x1
jax: 0.10.2.dev20260603
libtpu: 0.0.44.dev20260713+nightly
codegen_flags: <defaults>
</compile_context>

<pallas_src>
import functools

import jax
import jax.numpy as jnp
from jax import lax
from jax.experimental import pallas as pl
from jax.experimental.pallas import tpu as pltpu
from jax.experimental.pallas import tpu_sc as plsc

D = 64
SCALE = 8.0
ST = 256
SUB = 128


@functools.lru_cache(maxsize=None)
def _make_gather(B):
    info = plsc.get_sparse_core_info()
    NC, NS, L = info.num_cores, info.num_subcores, info.num_lanes
    NW = NC * NS
    PW = B // NW
    NSTG = PW // ST
    mesh = plsc.VectorSubcoreMesh(core_axis_name="c", subcore_axis_name="s")

    @functools.partial(
        pl.kernel,
        mesh=mesh,
        compiler_params=pltpu.CompilerParams(
            use_tc_tiling_on_sc=True, needs_layout_passes=False
        ),
        out_type=jax.ShapeDtypeStruct((B, D), jnp.float32),
        scratch_types=[
            pltpu.VMEM((PW,), jnp.int32),
            pltpu.VMEM((2, ST, 2 * D), jnp.float32),
            pltpu.VMEM((ST, D), jnp.float32),
            pltpu.SemaphoreType.DMA,
            pltpu.SemaphoreType.DMA,
        ],
    )
    def k(idx_hbm, tp_hbm, out_hbm, idx_all, gbuf, obuf, gsem, osem):
        wid = lax.axis_index("s") * NC + lax.axis_index("c")
        base = wid * PW

        pltpu.sync_copy(idx_hbm.at[pl.ds(base, PW)], idx_all)

        def gather_copies(g, b):
            return [
                pltpu.make_async_copy(
                    tp_hbm.at[idx_all.at[pl.ds(g * ST + o, SUB)]],
                    gbuf.at[b].at[pl.ds(o, SUB)],
                    gsem,
                )
                for o in range(0, ST, SUB)
            ]

        def fire_gather(g, b):
            for c in gather_copies(g, b):
                c.start()

        def wait_gather(g, b):
            for c in gather_copies(g, b):
                c.wait()

        def out_copy(g):
            return pltpu.make_async_copy(
                obuf, out_hbm.at[pl.ds(base + g * ST, ST)], osem
            )

        fire_gather(0, 0)

        def stage(g, b):
            wait_gather(g, b)
            fire_gather(lax.rem(g + 1, NSTG), 1 - b)

            @pl.when(g > 0)
            def _():
                out_copy(g - 1).wait()

            def token(t4, carry2):
                for u in range(4):
                    t = t4 * 4 + u
                    for c in range(D // L):
                        sl = pl.ds(c * L, L)
                        obuf[t, sl] = gbuf[b, t, sl] * SCALE
                return carry2

            lax.fori_loop(0, ST // 4, token, 0)
            out_copy(g).start()

        def outer(i2, carry):
            for b in range(2):
                stage(i2 * 2 + b, b)
            return carry

        lax.fori_loop(0, NSTG // 2, outer, 0)

        wait_gather(0, 0)
        out_copy(NSTG - 1).wait()

    return k


def kernel(token_ids, table):
    NB, T = token_ids.shape
    tp = jnp.pad(table, ((0, 0), (0, D)))
    out = _make_gather(NB * T)(token_ids.reshape(NB * T), tp)
    return out.reshape(NB, T, D)

# --- scband reference (transcript-rebuilt; emitter-appended) ---
"""Pipeline reference for scband-embedding-layer-3109556323128 (READ-ONLY COPY).

The authoritative reference and input builder live on the scoring server;
editing this copy changes nothing except your own understanding.
"""

import jax, jax.numpy as jnp
import numpy as np
import math

VOCAB = 1000000
D_MODEL = 64

def setup_inputs(seed: int = 0) -> dict:
    key = jax.random.key(seed)
    k1, k2 = jax.random.split(key)
    token_ids = jax.random.randint(k1, (4096, 200), 0, VOCAB, dtype=jnp.int64 if jax.config.read('jax_enable_x64') else jnp.int32)
    table = jax.random.normal(k2, (VOCAB, D_MODEL), dtype=jnp.float32)
    return {"token_ids": token_ids, "table": table}

def reference(token_ids, table):
    embeddings = jnp.take(table, token_ids, axis=0)
    return math.sqrt(D_MODEL) * embeddings

if __name__ == "__main__":
    import jax
    _d = setup_inputs()
    print(jax.jit(kernel)(*tuple(_d.values())))

</pallas_src>

<mosaic_0001>
#map = affine_map<(d0, d1) -> (0)>
#map1 = affine_map<(d0, d1) -> (0, 0)>
module attributes {stable_mosaic.version = 14 : i64} {
  func.func @k(%arg0: i32, %arg1: i32, %arg2: memref<819200xi32, #tpu.memory_space<hbm>>, %arg3: memref<1000000x128xf32, #tpu.memory_space<hbm>>, %arg4: memref<819200x64xf32, #tpu.memory_space<hbm>>, %arg5: memref<25600xi32, #tpu.memory_space<vmem>>, %arg6: memref<2x256x128xf32, #tpu.memory_space<vmem>>, %arg7: memref<256x64xf32, #tpu.memory_space<vmem>>, %arg8: memref<!tpu.dma_semaphore, #tpu.memory_space<semaphore_mem>>, %arg9: memref<!tpu.dma_semaphore, #tpu.memory_space<semaphore_mem>>) attributes {dimension_semantics = [#tpu.dimension_semantics<core_parallel>, #tpu.dimension_semantics<subcore_parallel>], iteration_bounds = array<i64: 2, 16>, scalar_prefetch = 0 : i64, scratch_operands = 5 : i64, tpu.core_type = #tpu.core_type<sc_vector_subcore>, window_params = [{transform_indices = #map}, {transform_indices = #map1}, {transform_indices = #map1}]} {
    %mul3A = arith.constant 2 : i32
    %mul3A_0 = arith.muli %arg1, %mul3A : i32
    %add3A = arith.addi %mul3A_0, %arg0 : i32
    %mul3A_1 = arith.constant 25600 : i32
    %mul3A_2 = arith.muli %add3A, %mul3A_1 : i32
    "tpu.region"() ({
      %run_scoped3A = tpu.sem_alloc : memref<!tpu.dma_semaphore, #tpu.memory_space<semaphore_mem>>
      %dma_start3A_64 = tpu.memref_slice %arg2[%mul3A_2] : memref<819200xi32, #tpu.memory_space<hbm>> -> memref<25600xi32, #tpu.memory_space<hbm>>
      %dma_start3A_65 = tpu.memref_slice %arg2[%mul3A_2] : memref<819200xi32, #tpu.memory_space<hbm>> -> memref<25600xi32, #tpu.memory_space<hbm>>
      tpu.enqueue_dma source(%dma_start3A_65 : memref<25600xi32, #tpu.memory_space<hbm>>) target(%arg5 : memref<25600xi32, #tpu.memory_space<vmem>>) target_semaphore(%run_scoped3A : memref<!tpu.dma_semaphore, #tpu.memory_space<semaphore_mem>>)
      %dma_wait3A_66 = tpu.memref_slice %arg2[%mul3A_2] : memref<819200xi32, #tpu.memory_space<hbm>> -> memref<25600xi32, #tpu.memory_space<hbm>>
      %dma_wait3A_67 = tpu.memref_slice %arg2[%mul3A_2] : memref<819200xi32, #tpu.memory_space<hbm>> -> memref<25600xi32, #tpu.memory_space<hbm>>
      tpu.wait_dma2 semaphore(%run_scoped3A : memref<!tpu.dma_semaphore, #tpu.memory_space<semaphore_mem>>) src(%dma_wait3A_67 : memref<25600xi32, #tpu.memory_space<hbm>>) dst(%arg5 : memref<25600xi32, #tpu.memory_space<vmem>>)
      tpu.yield
    }) : () -> ()
    %dma_start3A = arith.constant 0 : i32
    %dma_start3A_3 = arith.constant 0 : i32
    %dma_start3A_4 = arith.constant 0 : i32
    %dma_start3A_5 = tpu.memref_slice %arg6[%dma_start3A, %dma_start3A_3, %dma_start3A_4] : memref<2x256x128xf32, #tpu.memory_space<vmem>> -> memref<1x256x128xf32, #tpu.memory_space<vmem>>
    %dma_start3A_6 = tpu.memref_squeeze %dma_start3A_5 : memref<1x256x128xf32, #tpu.memory_space<vmem>> -> memref<256x128xf32, #tpu.memory_space<vmem>>
    %dma_start3A_7 = arith.constant 0 : i32
    %dma_start3A_8 = arith.constant 0 : i32
    %dma_start3A_9 = tpu.memref_slice %dma_start3A_6[%dma_start3A_7, %dma_start3A_8] : memref<256x128xf32, #tpu.memory_space<vmem>> -> memref<128x128xf32, #tpu.memory_space<vmem>>
    %dma_start3A_10 = arith.constant 0 : i32
    %dma_start3A_11 = tpu.memref_slice %arg5[%dma_start3A_10] : memref<25600xi32, #tpu.memory_space<vmem>> -> memref<128xi32, #tpu.memory_space<vmem>>
    %dma_start3A_12 = arith.constant 0 : i32
    %dma_start3A_13 = arith.constant 0 : i32
    %dma_start3A_14 = tpu.memref_slice %arg3[%dma_start3A_12, %dma_start3A_13] : memref<1000000x128xf32, #tpu.memory_space<hbm>> -> memref<1000000x128xf32, #tpu.memory_space<hbm>>
    tpu.enqueue_indirect_dma source(%dma_start3A_14 : memref<1000000x128xf32, #tpu.memory_space<hbm>>) target(%dma_start3A_9 : memref<128x128xf32, #tpu.memory_space<vmem>>) offsets(%dma_start3A_11 : memref<128xi32, #tpu.memory_space<vmem>>) semaphore(%arg8 : memref<!tpu.dma_semaphore, #tpu.memory_space<semaphore_mem>>)
    %dma_start3A_15 = arith.constant 0 : i32
    %dma_start3A_16 = arith.constant 0 : i32
    %dma_start3A_17 = arith.constant 0 : i32
    %dma_start3A_18 = tpu.memref_slice %arg6[%dma_start3A_15, %dma_start3A_16, %dma_start3A_17] : memref<2x256x128xf32, #tpu.memory_space<vmem>> -> memref<1x256x128xf32, #tpu.memory_space<vmem>>
    %dma_start3A_19 = tpu.memref_squeeze %dma_start3A_18 : memref<1x256x128xf32, #tpu.memory_space<vmem>> -> memref<256x128xf32, #tpu.memory_space<vmem>>
    %dma_start3A_20 = arith.constant 128 : i32
    %dma_start3A_21 = arith.constant 0 : i32
    %dma_start3A_22 = tpu.memref_slice %dma_start3A_19[%dma_start3A_20, %dma_start3A_21] : memref<256x128xf32, #tpu.memory_space<vmem>> -> memref<128x128xf32, #tpu.memory_space<vmem>>
    %dma_start3A_23 = arith.constant 128 : i32
    %dma_start3A_24 = tpu.memref_slice %arg5[%dma_start3A_23] : memref<25600xi32, #tpu.memory_space<vmem>> -> memref<128xi32, #tpu.memory_space<vmem>>
    %dma_start3A_25 = arith.constant 0 : i32
    %dma_start3A_26 = arith.constant 0 : i32
    %dma_start3A_27 = tpu.memref_slice %arg3[%dma_start3A_25, %dma_start3A_26] : memref<1000000x128xf32, #tpu.memory_space<hbm>> -> memref<1000000x128xf32, #tpu.memory_space<hbm>>
    tpu.enqueue_indirect_dma source(%dma_start3A_27 : memref<1000000x128xf32, #tpu.memory_space<hbm>>) target(%dma_start3A_22 : memref<128x128xf32, #tpu.memory_space<vmem>>) offsets(%dma_start3A_24 : memref<128xi32, #tpu.memory_space<vmem>>) semaphore(%arg8 : memref<!tpu.dma_semaphore, #tpu.memory_space<semaphore_mem>>)
    %scan3A = arith.constant 0 : i32
    %scan3A_28 = arith.constant 0 : i32
    %scan3A_29 = arith.constant 50 : i32
    %scan3A_30 = arith.addi %scan3A_28, %scan3A_29 : i32
    %scan3A_31 = arith.constant 1 : i32
    scf.for %scan3A_64 = %scan3A_28 to %scan3A_30 step %scan3A_31  : i32 {
      %mul3A_65 = arith.constant 2 : i32
      %mul3A_66 = arith.muli %scan3A_64, %mul3A_65 : i32
      %add3A_67 = arith.constant 0 : i32
      %add3A_68 = arith.addi %mul3A_66, %add3A_67 : i32
      %mul3A_69 = arith.constant 256 : i32
      %mul3A_70 = arith.muli %add3A_68, %mul3A_69 : i32
      %add3A_71 = arith.constant 0 : i32
      %add3A_72 = arith.addi %mul3A_70, %add3A_71 : i32
      %mul3A_73 = arith.constant 256 : i32
      %mul3A_74 = arith.muli %add3A_68, %mul3A_73 : i32
      %add3A_75 = arith.constant 128 : i32
      %add3A_76 = arith.addi %mul3A_74, %add3A_75 : i32
      %dma_wait3A_77 = arith.constant 0 : i32
      %dma_wait3A_78 = arith.constant 0 : i32
      %dma_wait3A_79 = arith.constant 0 : i32
      %dma_wait3A_80 = tpu.memref_slice %arg6[%dma_wait3A_77, %dma_wait3A_78, %dma_wait3A_79] : memref<2x256x128xf32, #tpu.memory_space<vmem>> -> memref<1x256x128xf32, #tpu.memory_space<vmem>>
      %dma_wait3A_81 = tpu.memref_squeeze %dma_wait3A_80 : memref<1x256x128xf32, #tpu.memory_space<vmem>> -> memref<256x128xf32, #tpu.memory_space<vmem>>
      %dma_wait3A_82 = arith.constant 0 : i32
      %dma_wait3A_83 = arith.constant 0 : i32
      %dma_wait3A_84 = tpu.memref_slice %dma_wait3A_81[%dma_wait3A_82, %dma_wait3A_83] : memref<256x128xf32, #tpu.memory_space<vmem>> -> memref<128x128xf32, #tpu.memory_space<vmem>>
      %dma_wait3A_85 = tpu.memref_slice %arg5[%add3A_72] : memref<25600xi32, #tpu.memory_space<vmem>> -> memref<128xi32, #tpu.memory_space<vmem>>
      %dma_wait3A_86 = arith.constant 0 : i32
      %dma_wait3A_87 = arith.constant 0 : i32
      %dma_wait3A_88 = tpu.memref_slice %arg3[%dma_wait3A_86, %dma_wait3A_87] : memref<1000000x128xf32, #tpu.memory_space<hbm>> -> memref<1000000x128xf32, #tpu.memory_space<hbm>>
      tpu.wait_indirect_dma semaphore(%arg8 : memref<!tpu.dma_semaphore, #tpu.memory_space<semaphore_mem>>) src(%dma_wait3A_88 : memref<1000000x128xf32, #tpu.memory_space<hbm>>) dst(%dma_wait3A_84 : memref<128x128xf32, #tpu.memory_space<vmem>>)
      %dma_wait3A_89 = arith.constant 0 : i32
      %dma_wait3A_90 = arith.constant 0 : i32
      %dma_wait3A_91 = arith.constant 0 : i32
      %dma_wait3A_92 = tpu.memref_slice %arg6[%dma_wait3A_89, %dma_wait3A_90, %dma_wait3A_91] : memref<2x256x128xf32, #tpu.memory_space<vmem>> -> memref<1x256x128xf32, #tpu.memory_space<vmem>>
      %dma_wait3A_93 = tpu.memref_squeeze %dma_wait3A_92 : memref<1x256x128xf32, #tpu.memory_space<vmem>> -> memref<256x128xf32, #tpu.memory_space<vmem>>
      %dma_wait3A_94 = arith.constant 128 : i32
      %dma_wait3A_95 = arith.constant 0 : i32
      %dma_wait3A_96 = tpu.memref_slice %dma_wait3A_93[%dma_wait3A_94, %dma_wait3A_95] : memref<256x128xf32, #tpu.memory_space<vmem>> -> memref<128x128xf32, #tpu.memory_space<vmem>>
      %dma_wait3A_97 = tpu.memref_slice %arg5[%add3A_76] : memref<25600xi32, #tpu.memory_space<vmem>> -> memref<128xi32, #tpu.memory_space<vmem>>
      %dma_wait3A_98 = arith.constant 0 : i32
      %dma_wait3A_99 = arith.constant 0 : i32
      %dma_wait3A_100 = tpu.memref_slice %arg3[%dma_wait3A_98, %dma_wait3A_99] : memref<1000000x128xf32, #tpu.memory_space<hbm>> -> memref<1000000x128xf32, #tpu.memory_space<hbm>>
      tpu.wait_indirect_dma semaphore(%arg8 : memref<!tpu.dma_semaphore, #tpu.memory_space<semaphore_mem>>) src(%dma_wait3A_100 : memref<1000000x128xf32, #tpu.memory_space<hbm>>) dst(%dma_wait3A_96 : memref<128x128xf32, #tpu.memory_space<vmem>>)
      %add3A_101 = arith.constant 1 : i32
      %add3A_102 = arith.addi %add3A_68, %add3A_101 : i32
      %rem3A = arith.constant 100 : i32
      %rem3A_103 = arith.remsi %add3A_102, %rem3A : i32
      %mul3A_104 = arith.constant 256 : i32
      %mul3A_105 = arith.muli %rem3A_103, %mul3A_104 : i32
      %add3A_106 = arith.constant 0 : i32
      %add3A_107 = arith.addi %mul3A_105, %add3A_106 : i32
      %mul3A_108 = arith.constant 256 : i32
      %mul3A_109 = arith.muli %rem3A_103, %mul3A_108 : i32
      %add3A_110 = arith.constant 128 : i32
      %add3A_111 = arith.addi %mul3A_109, %add3A_110 : i32
      %dma_start3A_112 = arith.constant 1 : i32
      %dma_start3A_113 = arith.constant 0 : i32
      %dma_start3A_114 = arith.constant 0 : i32
      %dma_start3A_115 = tpu.memref_slice %arg6[%dma_start3A_112, %dma_start3A_113, %dma_start3A_114] : memref<2x256x128xf32, #tpu.memory_space<vmem>> -> memref<1x256x128xf32, #tpu.memory_space<vmem>>
      %dma_start3A_116 = tpu.memref_squeeze %dma_start3A_115 : memref<1x256x128xf32, #tpu.memory_space<vmem>> -> memref<256x128xf32, #tpu.memory_space<vmem>>
      %dma_start3A_117 = arith.constant 0 : i32
      %dma_start3A_118 = arith.constant 0 : i32
      %dma_start3A_119 = tpu.memref_slice %dma_start3A_116[%dma_start3A_117, %dma_start3A_118] : memref<256x128xf32, #tpu.memory_space<vmem>> -> memref<128x128xf32, #tpu.memory_space<vmem>>
      %dma_start3A_120 = tpu.memref_slice %arg5[%add3A_107] : memref<25600xi32, #tpu.memory_space<vmem>> -> memref<128xi32, #tpu.memory_space<vmem>>
      %dma_start3A_121 = arith.constant 0 : i32
      %dma_start3A_122 = arith.constant 0 : i32
      %dma_start3A_123 = tpu.memref_slice %arg3[%dma_start3A_121, %dma_start3A_122] : memref<1000000x128xf32, #tpu.memory_space<hbm>> -> memref<1000000x128xf32, #tpu.memory_space<hbm>>
      tpu.enqueue_indirect_dma source(%dma_start3A_123 : memref<1000000x128xf32, #tpu.memory_space<hbm>>) target(%dma_start3A_119 : memref<128x128xf32, #tpu.memory_space<vmem>>) offsets(%dma_start3A_120 : memref<128xi32, #tpu.memory_space<vmem>>) semaphore(%arg8 : memref<!tpu.dma_semaphore, #tpu.memory_space<semaphore_mem>>)
      %dma_start3A_124 = arith.constant 1 : i32
      %dma_start3A_125 = arith.constant 0 : i32
      %dma_start3A_126 = arith.constant 0 : i32
      %dma_start3A_127 = tpu.memref_slice %arg6[%dma_start3A_124, %dma_start3A_125, %dma_start3A_126] : memref<2x256x128xf32, #tpu.memory_space<vmem>> -> memref<1x256x128xf32, #tpu.memory_space<vmem>>
      %dma_start3A_128 = tpu.memref_squeeze %dma_start3A_127 : memref<1x256x128xf32, #tpu.memory_space<vmem>> -> memref<256x128xf32, #tpu.memory_space<vmem>>
      %dma_start3A_129 = arith.constant 128 : i32
      %dma_start3A_130 = arith.constant 0 : i32
      %dma_start3A_131 = tpu.memref_slice %dma_start3A_128[%dma_start3A_129, %dma_start3A_130] : memref<256x128xf32, #tpu.memory_space<vmem>> -> memref<128x128xf32, #tpu.memory_space<vmem>>
      %dma_start3A_132 = tpu.memref_slice %arg5[%add3A_111] : memref<25600xi32, #tpu.memory_space<vmem>> -> memref<128xi32, #tpu.memory_space<vmem>>
      %dma_start3A_133 = arith.constant 0 : i32
      %dma_start3A_134 = arith.constant 0 : i32
      %dma_start3A_135 = tpu.memref_slice %arg3[%dma_start3A_133, %dma_start3A_134] : memref<1000000x128xf32, #tpu.memory_space<hbm>> -> memref<1000000x128xf32, #tpu.memory_space<hbm>>
      tpu.enqueue_indirect_dma source(%dma_start3A_135 : memref<1000000x128xf32, #tpu.memory_space<hbm>>) target(%dma_start3A_131 : memref<128x128xf32, #tpu.memory_space<vmem>>) offsets(%dma_start3A_132 : memref<128xi32, #tpu.memory_space<vmem>>) semaphore(%arg8 : memref<!tpu.dma_semaphore, #tpu.memory_space<semaphore_mem>>)
      %gt3A = arith.constant 0 : i32
      %gt3A_136 = arith.cmpi sgt, %add3A_68, %gt3A : i32
      %convert_element_type3A = arith.extui %gt3A_136 : i1 to i32
      %cond3A = arith.constant 0 : i32
      %cond3A_137 = arith.cmpi ne, %convert_element_type3A, %cond3A : i32
      scf.if %cond3A_137 {
        %sub3A = arith.constant 1 : i32
        %sub3A_241 = arith.subi %add3A_68, %sub3A : i32
        %mul3A_242 = arith.constant 256 : i32
        %mul3A_243 = arith.muli %sub3A_241, %mul3A_242 : i32
        %add3A_244 = arith.addi %mul3A_2, %mul3A_243 : i32
        %dma_wait3A_245 = arith.constant 0 : i32
        %dma_wait3A_246 = tpu.memref_slice %arg4[%add3A_244, %dma_wait3A_245] : memref<819200x64xf32, #tpu.memory_space<hbm>> -> memref<256x64xf32, #tpu.memory_space<hbm>>
        %dma_wait3A_247 = arith.constant 0 : i32
        %dma_wait3A_248 = tpu.memref_slice %arg4[%add3A_244, %dma_wait3A_247] : memref<819200x64xf32, #tpu.memory_space<hbm>> -> memref<256x64xf32, #tpu.memory_space<hbm>>
        tpu.wait_dma2 semaphore(%arg9 : memref<!tpu.dma_semaphore, #tpu.memory_space<semaphore_mem>>) src(%arg7 : memref<256x64xf32, #tpu.memory_space<vmem>>) dst(%dma_wait3A_248 : memref<256x64xf32, #tpu.memory_space<hbm>>)
      } else {
      }
      %scan3A_138 = arith.constant 0 : i32
      %scan3A_139 = arith.constant 0 : i32
      %scan3A_140 = arith.constant 64 : i32
      %scan3A_141 = arith.addi %scan3A_139, %scan3A_140 : i32
      %scan3A_142 = arith.constant 1 : i32
      scf.for %scan3A_241 = %scan3A_139 to %scan3A_141 step %scan3A_142  : i32 {
        %mul3A_242 = arith.constant 4 : i32
        %mul3A_243 = arith.muli %scan3A_241, %mul3A_242 : i32
        %add3A_244 = arith.constant 0 : i32
        %add3A_245 = arith.addi %mul3A_243, %add3A_244 : i32
        %get3A = arith.constant 0 : i32
        %get3A_246 = arith.index_cast %get3A : i32 to index
        %get3A_247 = arith.index_cast %add3A_245 : i32 to index
        %get3A_248 = arith.constant 0 : index
        %get3A_249 = tpu.vector_load %arg6[%get3A_246, %get3A_247, %get3A_248] {strides = array<i32>} : memref<2x256x128xf32, #tpu.memory_space<vmem>>, vector<16xf32>,
        %mul3A_250 = arith.constant 8.000000e+00 : f32
        %mul3A_251 = vector.broadcast %mul3A_250 : f32 to vector<16xf32>
        %mul3A_252 = arith.mulf %get3A_249, %mul3A_251 : vector<16xf32>
        %swap3A = arith.index_cast %add3A_245 : i32 to index
        %swap3A_253 = arith.constant 0 : index
        %swap3A_254 = tpu.vector_load %arg7[%swap3A, %swap3A_253] {strides = array<i32>} : memref<256x64xf32, #tpu.memory_space<vmem>>, vector<16xf32>,
        tpu.vector_store %arg7[%swap3A, %swap3A_253], %mul3A_252 {strides = array<i32>} : memref<256x64xf32, #tpu.memory_space<vmem>>, vector<16xf32>,
        %get3A_255 = arith.constant 0 : i32
        %get3A_256 = arith.index_cast %get3A_255 : i32 to index
        %get3A_257 = arith.index_cast %add3A_245 : i32 to index
        %get3A_258 = arith.constant 16 : index
        %get3A_259 = tpu.vector_load %arg6[%get3A_256, %get3A_257, %get3A_258] {strides = array<i32>} : memref<2x256x128xf32, #tpu.memory_space<vmem>>, vector<16xf32>,
        %mul3A_260 = arith.constant 8.000000e+00 : f32
        %mul3A_261 = vector.broadcast %mul3A_260 : f32 to vector<16xf32>
        %mul3A_262 = arith.mulf %get3A_259, %mul3A_261 : vector<16xf32>
        %swap3A_263 = arith.index_cast %add3A_245 : i32 to index
        %swap3A_264 = arith.constant 16 : index
        %swap3A_265 = tpu.vector_load %arg7[%swap3A_263, %swap3A_264] {strides = array<i32>} : memref<256x64xf32, #tpu.memory_space<vmem>>, vector<16xf32>,
        tpu.vector_store %arg7[%swap3A_263, %swap3A_264], %mul3A_262 {strides = array<i32>} : memref<256x64xf32, #tpu.memory_space<vmem>>, vector<16xf32>,
        %get3A_266 = arith.constant 0 : i32
        %get3A_267 = arith.index_cast %get3A_266 : i32 to index
        %get3A_268 = arith.index_cast %add3A_245 : i32 to index
        %get3A_269 = arith.constant 32 : index
        %get3A_270 = tpu.vector_load %arg6[%get3A_267, %get3A_268, %get3A_269] {strides = array<i32>} : memref<2x256x128xf32, #tpu.memory_space<vmem>>, vector<16xf32>,
        %mul3A_271 = arith.constant 8.000000e+00 : f32
        %mul3A_272 = vector.broadcast %mul3A_271 : f32 to vector<16xf32>
        %mul3A_273 = arith.mulf %get3A_270, %mul3A_272 : vector<16xf32>
        %swap3A_274 = arith.index_cast %add3A_245 : i32 to index
        %swap3A_275 = arith.constant 32 : index
        %swap3A_276 = tpu.vector_load %arg7[%swap3A_274, %swap3A_275] {strides = array<i32>} : memref<256x64xf32, #tpu.memory_space<vmem>>, vector<16xf32>,
        tpu.vector_store %arg7[%swap3A_274, %swap3A_275], %mul3A_273 {strides = array<i32>} : memref<256x64xf32, #tpu.memory_space<vmem>>, vector<16xf32>,
        %get3A_277 = arith.constant 0 : i32
        %get3A_278 = arith.index_cast %get3A_277 : i32 to index
        %get3A_279 = arith.index_cast %add3A_245 : i32 to index
        %get3A_280 = arith.constant 48 : index
        %get3A_281 = tpu.vector_load %arg6[%get3A_278, %get3A_279, %get3A_280] {strides = array<i32>} : memref<2x256x128xf32, #tpu.memory_space<vmem>>, vector<16xf32>,
        %mul3A_282 = arith.constant 8.000000e+00 : f32
        %mul3A_283 = vector.broadcast %mul3A_282 : f32 to vector<16xf32>
        %mul3A_284 = arith.mulf %get3A_281, %mul3A_283 : vector<16xf32>
        %swap3A_285 = arith.index_cast %add3A_245 : i32 to index
        %swap3A_286 = arith.constant 48 : index
        %swap3A_287 = tpu.vector_load %arg7[%swap3A_285, %swap3A_286] {strides = array<i32>} : memref<256x64xf32, #tpu.memory_space<vmem>>, vector<16xf32>,
        tpu.vector_store %arg7[%swap3A_285, %swap3A_286], %mul3A_284 {strides = array<i32>} : memref<256x64xf32, #tpu.memory_space<vmem>>, vector<16xf32>,
        %mul3A_288 = arith.constant 4 : i32
        %mul3A_289 = arith.muli %scan3A_241, %mul3A_288 : i32
        %add3A_290 = arith.constant 1 : i32
        %add3A_291 = arith.addi %mul3A_289, %add3A_290 : i32
        %get3A_292 = arith.constant 0 : i32
        %get3A_293 = arith.index_cast %get3A_292 : i32 to index
        %get3A_294 = arith.index_cast %add3A_291 : i32 to index
        %get3A_295 = arith.constant 0 : index
        %get3A_296 = tpu.vector_load %arg6[%get3A_293, %get3A_294, %get3A_295] {strides = array<i32>} : memref<2x256x128xf32, #tpu.memory_space<vmem>>, vector<16xf32>,
        %mul3A_297 = arith.constant 8.000000e+00 : f32
        %mul3A_298 = vector.broadcast %mul3A_297 : f32 to vector<16xf32>
        %mul3A_299 = arith.mulf %get3A_296, %mul3A_298 : vector<16xf32>
        %swap3A_300 = arith.index_cast %add3A_291 : i32 to index
        %swap3A_301 = arith.constant 0 : index
        %swap3A_302 = tpu.vector_load %arg7[%swap3A_300, %swap3A_301] {strides = array<i32>} : memref<256x64xf32, #tpu.memory_space<vmem>>, vector<16xf32>,
        tpu.vector_store %arg7[%swap3A_300, %swap3A_301], %mul3A_299 {strides = array<i32>} : memref<256x64xf32, #tpu.memory_space<vmem>>, vector<16xf32>,
        %get3A_303 = arith.constant 0 : i32
        %get3A_304 = arith.index_cast %get3A_303 : i32 to index
        %get3A_305 = arith.index_cast %add3A_291 : i32 to index
        %get3A_306 = arith.constant 16 : index
        %get3A_307 = tpu.vector_load %arg6[%get3A_304, %get3A_305, %get3A_306] {strides = array<i32>} : memref<2x256x128xf32, #tpu.memory_space<vmem>>, vector<16xf32>,
        %mul3A_308 = arith.constant 8.000000e+00 : f32
        %mul3A_309 = vector.broadcast %mul3A_308 : f32 to vector<16xf32>
        %mul3A_310 = arith.mulf %get3A_307, %mul3A_309 : vector<16xf32>
        %swap3A_311 = arith.index_cast %add3A_291 : i32 to index
        %swap3A_312 = arith.constant 16 : index
        %swap3A_313 = tpu.vector_load %arg7[%swap3A_311, %swap3A_312] {strides = array<i32>} : memref<256x64xf32, #tpu.memory_space<vmem>>, vector<16xf32>,
        tpu.vector_store %arg7[%swap3A_311, %swap3A_312], %mul3A_310 {strides = array<i32>} : memref<256x64xf32, #tpu.memory_space<vmem>>, vector<16xf32>,
        %get3A_314 = arith.constant 0 : i32
        %get3A_315 = arith.index_cast %get3A_314 : i32 to index
        %get3A_316 = arith.index_cast %add3A_291 : i32 to index
        %get3A_317 = arith.constant 32 : index
        %get3A_318 = tpu.vector_load %arg6[%get3A_315, %get3A_316, %get3A_317] {strides = array<i32>} : memref<2x256x128xf32, #tpu.memory_space<vmem>>, vector<16xf32>,
        %mul3A_319 = arith.constant 8.000000e+00 : f32
        %mul3A_320 = vector.broadcast %mul3A_319 : f32 to vector<16xf32>
        %mul3A_321 = arith.mulf %get3A_318, %mul3A_320 : vector<16xf32>
        %swap3A_322 = arith.index_cast %add3A_291 : i32 to index
        %swap3A_323 = arith.constant 32 : index
        %swap3A_324 = tpu.vector_load %arg7[%swap3A_322, %swap3A_323] {strides = array<i32>} : memref<256x64xf32, #tpu.memory_space<vmem>>, vector<16xf32>,
        tpu.vector_store %arg7[%swap3A_322, %swap3A_323], %mul3A_321 {strides = array<i32>} : memref<256x64xf32, #tpu.memory_space<vmem>>, vector<16xf32>,
        %get3A_325 = arith.constant 0 : i32
        %get3A_326 = arith.index_cast %get3A_325 : i32 to index
        %get3A_327 = arith.index_cast %add3A_291 : i32 to index
        %get3A_328 = arith.constant 48 : index
        %get3A_329 = tpu.vector_load %arg6[%get3A_326, %get3A_327, %get3A_328] {strides = array<i32>} : memref<2x256x128xf32, #tpu.memory_space<vmem>>, vector<16xf32>,
        %mul3A_330 = arith.constant 8.000000e+00 : f32
        %mul3A_331 = vector.broadcast %mul3A_330 : f32 to vector<16xf32>
        %mul3A_332 = arith.mulf %get3A_329, %mul3A_331 : vector<16xf32>
        %swap3A_333 = arith.index_cast %add3A_291 : i32 to index
        %swap3A_334 = arith.constant 48 : index
        %swap3A_335 = tpu.vector_load %arg7[%swap3A_333, %swap3A_334] {strides = array<i32>} : memref<256x64xf32, #tpu.memory_space<vmem>>, vector<16xf32>,
        tpu.vector_store %arg7[%swap3A_333, %swap3A_334], %mul3A_332 {strides = array<i32>} : memref<256x64xf32, #tpu.memory_space<vmem>>, vector<16xf32>,
        %mul3A_336 = arith.constant 4 : i32
        %mul3A_337 = arith.muli %scan3A_241, %mul3A_336 : i32
        %add3A_338 = arith.constant 2 : i32
        %add3A_339 = arith.addi %mul3A_337, %add3A_338 : i32
        %get3A_340 = arith.constant 0 : i32
        %get3A_341 = arith.index_cast %get3A_340 : i32 to index
        %get3A_342 = arith.index_cast %add3A_339 : i32 to index
        %get3A_343 = arith.constant 0 : index
        %get3A_344 = tpu.vector_load %arg6[%get3A_341, %get3A_342, %get3A_343] {strides = array<i32>} : memref<2x256x128xf32, #tpu.memory_space<vmem>>, vector<16xf32>,
        %mul3A_345 = arith.constant 8.000000e+00 : f32
        %mul3A_346 = vector.broadcast %mul3A_345 : f32 to vector<16xf32>
        %mul3A_347 = arith.mulf %get3A_344, %mul3A_346 : vector<16xf32>
        %swap3A_348 = arith.index_cast %add3A_339 : i32 to index
        %swap3A_349 = arith.constant 0 : index
        %swap3A_350 = tpu.vector_load %arg7[%swap3A_348, %swap3A_349] {strides = array<i32>} : memref<256x64xf32, #tpu.memory_space<vmem>>, vector<16xf32>,
        tpu.vector_store %arg7[%swap3A_348, %swap3A_349], %mul3A_347 {strides = array<i32>} : memref<256x64xf32, #tpu.memory_space<vmem>>, vector<16xf32>,
        %get3A_351 = arith.constant 0 : i32
        %get3A_352 = arith.index_cast %get3A_351 : i32 to index
        %get3A_353 = arith.index_cast %add3A_339 : i32 to index
        %get3A_354 = arith.constant 16 : index
        %get3A_355 = tpu.vector_load %arg6[%get3A_352, %get3A_353, %get3A_354] {strides = array<i32>} : memref<2x256x128xf32, #tpu.memory_space<vmem>>, vector<16xf32>,
        %mul3A_356 = arith.constant 8.000000e+00 : f32
        %mul3A_357 = vector.broadcast %mul3A_356 : f32 to vector<16xf32>
        %mul3A_358 = arith.mulf %get3A_355, %mul3A_357 : vector<16xf32>
        %swap3A_359 = arith.index_cast %add3A_339 : i32 to index
        %swap3A_360 = arith.constant 16 : index
        %swap3A_361 = tpu.vector_load %arg7[%swap3A_359, %swap3A_360] {strides = array<i32>} : memref<256x64xf32, #tpu.memory_space<vmem>>, vector<16xf32>,
        tpu.vector_store %arg7[%swap3A_359, %swap3A_360], %mul3A_358 {strides = array<i32>} : memref<256x64xf32, #tpu.memory_space<vmem>>, vector<16xf32>,
        %get3A_362 = arith.constant 0 : i32
        %get3A_363 = arith.index_cast %get3A_362 : i32 to index
        %get3A_364 = arith.index_cast %add3A_339 : i32 to index
        %get3A_365 = arith.constant 32 : index
        %get3A_366 = tpu.vector_load %arg6[%get3A_363, %get3A_364, %get3A_365] {strides = array<i32>} : memref<2x256x128xf32, #tpu.memory_space<vmem>>, vector<16xf32>,
        %mul3A_367 = arith.constant 8.000000e+00 : f32
        %mul3A_368 = vector.broadcast %mul3A_367 : f32 to vector<16xf32>
        %mul3A_369 = arith.mulf %get3A_366, %mul3A_368 : vector<16xf32>
        %swap3A_370 = arith.index_cast %add3A_339 : i32 to index
        %swap3A_371 = arith.constant 32 : index
        %swap3A_372 = tpu.vector_load %arg7[%swap3A_370, %swap3A_371] {strides = array<i32>} : memref<256x64xf32, #tpu.memory_space<vmem>>, vector<16xf32>,
        tpu.vector_store %arg7[%swap3A_370, %swap3A_371], %mul3A_369 {strides = array<i32>} : memref<256x64xf32, #tpu.memory_space<vmem>>, vector<16xf32>,
        %get3A_373 = arith.constant 0 : i32
        %get3A_374 = arith.index_cast %get3A_373 : i32 to index
        %get3A_375 = arith.index_cast %add3A_339 : i32 to index
        %get3A_376 = arith.constant 48 : index
        %get3A_377 = tpu.vector_load %arg6[%get3A_374, %get3A_375, %get3A_376] {strides = array<i32>} : memref<2x256x128xf32, #tpu.memory_space<vmem>>, vector<16xf32>,
        %mul3A_378 = arith.constant 8.000000e+00 : f32
        %mul3A_379 = vector.broadcast %mul3A_378 : f32 to vector<16xf32>
        %mul3A_380 = arith.mulf %get3A_377, %mul3A_379 : vector<16xf32>
        %swap3A_381 = arith.index_cast %add3A_339 : i32 to index
        %swap3A_382 = arith.constant 48 : index
        %swap3A_383 = tpu.vector_load %arg7[%swap3A_381, %swap3A_382] {strides = array<i32>} : memref<256x64xf32, #tpu.memory_space<vmem>>, vector<16xf32>,
        tpu.vector_store %arg7[%swap3A_381, %swap3A_382], %mul3A_380 {strides = array<i32>} : memref<256x64xf32, #tpu.memory_space<vmem>>, vector<16xf32>,
        %mul3A_384 = arith.constant 4 : i32
        %mul3A_385 = arith.muli %scan3A_241, %mul3A_384 : i32
        %add3A_386 = arith.constant 3 : i32
        %add3A_387 = arith.addi %mul3A_385, %add3A_386 : i32
        %get3A_388 = arith.constant 0 : i32
        %get3A_389 = arith.index_cast %get3A_388 : i32 to index
        %get3A_390 = arith.index_cast %add3A_387 : i32 to index
        %get3A_391 = arith.constant 0 : index
        %get3A_392 = tpu.vector_load %arg6[%get3A_389, %get3A_390, %get3A_391] {strides = array<i32>} : memref<2x256x128xf32, #tpu.memory_space<vmem>>, vector<16xf32>,
        %mul3A_393 = arith.constant 8.000000e+00 : f32
        %mul3A_394 = vector.broadcast %mul3A_393 : f32 to vector<16xf32>
        %mul3A_395 = arith.mulf %get3A_392, %mul3A_394 : vector<16xf32>
        %swap3A_396 = arith.index_cast %add3A_387 : i32 to index
        %swap3A_397 = arith.constant 0 : index
        %swap3A_398 = tpu.vector_load %arg7[%swap3A_396, %swap3A_397] {strides = array<i32>} : memref<256x64xf32, #tpu.memory_space<vmem>>, vector<16xf32>,
        tpu.vector_store %arg7[%swap3A_396, %swap3A_397], %mul3A_395 {strides = array<i32>} : memref<256x64xf32, #tpu.memory_space<vmem>>, vector<16xf32>,
        %get3A_399 = arith.constant 0 : i32
        %get3A_400 = arith.index_cast %get3A_399 : i32 to index
        %get3A_401 = arith.index_cast %add3A_387 : i32 to index
        %get3A_402 = arith.constant 16 : index
        %get3A_403 = tpu.vector_load %arg6[%get3A_400, %get3A_401, %get3A_402] {strides = array<i32>} : memref<2x256x128xf32, #tpu.memory_space<vmem>>, vector<16xf32>,
        %mul3A_404 = arith.constant 8.000000e+00 : f32
        %mul3A_405 = vector.broadcast %mul3A_404 : f32 to vector<16xf32>
        %mul3A_406 = arith.mulf %get3A_403, %mul3A_405 : vector<16xf32>
        %swap3A_407 = arith.index_cast %add3A_387 : i32 to index
        %swap3A_408 = arith.constant 16 : index
        %swap3A_409 = tpu.vector_load %arg7[%swap3A_407, %swap3A_408] {strides = array<i32>} : memref<256x64xf32, #tpu.memory_space<vmem>>, vector<16xf32>,
        tpu.vector_store %arg7[%swap3A_407, %swap3A_408], %mul3A_406 {strides = array<i32>} : memref<256x64xf32, #tpu.memory_space<vmem>>, vector<16xf32>,
        %get3A_410 = arith.constant 0 : i32
        %get3A_411 = arith.index_cast %get3A_410 : i32 to index
        %get3A_412 = arith.index_cast %add3A_387 : i32 to index
        %get3A_413 = arith.constant 32 : index
        %get3A_414 = tpu.vector_load %arg6[%get3A_411, %get3A_412, %get3A_413] {strides = array<i32>} : memref<2x256x128xf32, #tpu.memory_space<vmem>>, vector<16xf32>,
        %mul3A_415 = arith.constant 8.000000e+00 : f32
        %mul3A_416 = vector.broadcast %mul3A_415 : f32 to vector<16xf32>
        %mul3A_417 = arith.mulf %get3A_414, %mul3A_416 : vector<16xf32>
        %swap3A_418 = arith.index_cast %add3A_387 : i32 to index
        %swap3A_419 = arith.constant 32 : index
        %swap3A_420 = tpu.vector_load %arg7[%swap3A_418, %swap3A_419] {strides = array<i32>} : memref<256x64xf32, #tpu.memory_space<vmem>>, vector<16xf32>,
        tpu.vector_store %arg7[%swap3A_418, %swap3A_419], %mul3A_417 {strides = array<i32>} : memref<256x64xf32, #tpu.memory_space<vmem>>, vector<16xf32>,
        %get3A_421 = arith.constant 0 : i32
        %get3A_422 = arith.index_cast %get3A_421 : i32 to index
        %get3A_423 = arith.index_cast %add3A_387 : i32 to index
        %get3A_424 = arith.constant 48 : index
        %get3A_425 = tpu.vector_load %arg6[%get3A_422, %get3A_423, %get3A_424] {strides = array<i32>} : memref<2x256x128xf32, #tpu.memory_space<vmem>>, vector<16xf32>,
        %mul3A_426 = arith.constant 8.000000e+00 : f32
        %mul3A_427 = vector.broadcast %mul3A_426 : f32 to vector<16xf32>
        %mul3A_428 = arith.mulf %get3A_425, %mul3A_427 : vector<16xf32>
        %swap3A_429 = arith.index_cast %add3A_387 : i32 to index
        %swap3A_430 = arith.constant 48 : index
        %swap3A_431 = tpu.vector_load %arg7[%swap3A_429, %swap3A_430] {strides = array<i32>} : memref<256x64xf32, #tpu.memory_space<vmem>>, vector<16xf32>,
        tpu.vector_store %arg7[%swap3A_429, %swap3A_430], %mul3A_428 {strides = array<i32>} : memref<256x64xf32, #tpu.memory_space<vmem>>, vector<16xf32>,
      }
      %scan3A_143 = arith.constant 64 : i32
      %mul3A_144 = arith.constant 256 : i32
      %mul3A_145 = arith.muli %add3A_68, %mul3A_144 : i32
      %add3A_146 = arith.addi %mul3A_2, %mul3A_145 : i32
      %dma_start3A_147 = arith.constant 0 : i32
      %dma_start3A_148 = tpu.memref_slice %arg4[%add3A_146, %dma_start3A_147] : memref<819200x64xf32, #tpu.memory_space<hbm>> -> memref<256x64xf32, #tpu.memory_space<hbm>>
      %dma_start3A_149 = arith.constant 0 : i32
      %dma_start3A_150 = tpu.memref_slice %arg4[%add3A_146, %dma_start3A_149] : memref<819200x64xf32, #tpu.memory_space<hbm>> -> memref<256x64xf32, #tpu.memory_space<hbm>>
      tpu.enqueue_dma source(%arg7 : memref<256x64xf32, #tpu.memory_space<vmem>>) target(%dma_start3A_150 : memref<256x64xf32, #tpu.memory_space<hbm>>) target_semaphore(%arg9 : memref<!tpu.dma_semaphore, #tpu.memory_space<semaphore_mem>>)
      %mul3A_151 = arith.constant 2 : i32
      %mul3A_152 = arith.muli %scan3A_64, %mul3A_151 : i32
      %add3A_153 = arith.constant 1 : i32
      %add3A_154 = arith.addi %mul3A_152, %add3A_153 : i32
      %mul3A_155 = arith.constant 256 : i32
      %mul3A_156 = arith.muli %add3A_154, %mul3A_155 : i32
      %add3A_157 = arith.constant 0 : i32
      %add3A_158 = arith.addi %mul3A_156, %add3A_157 : i32
      %mul3A_159 = arith.constant 256 : i32
      %mul3A_160 = arith.muli %add3A_154, %mul3A_159 : i32
      %add3A_161 = arith.constant 128 : i32
      %add3A_162 = arith.addi %mul3A_160, %add3A_161 : i32
      %dma_wait3A_163 = arith.constant 1 : i32
      %dma_wait3A_164 = arith.constant 0 : i32
      %dma_wait3A_165 = arith.constant 0 : i32
      %dma_wait3A_166 = tpu.memref_slice %arg6[%dma_wait3A_163, %dma_wait3A_164, %dma_wait3A_165] : memref<2x256x128xf32, #tpu.memory_space<vmem>> -> memref<1x256x128xf32, #tpu.memory_space<vmem>>
      %dma_wait3A_167 = tpu.memref_squeeze %dma_wait3A_166 : memref<1x256x128xf32, #tpu.memory_space<vmem>> -> memref<256x128xf32, #tpu.memory_space<vmem>>
      %dma_wait3A_168 = arith.constant 0 : i32
      %dma_wait3A_169 = arith.constant 0 : i32
      %dma_wait3A_170 = tpu.memref_slice %dma_wait3A_167[%dma_wait3A_168, %dma_wait3A_169] : memref<256x128xf32, #tpu.memory_space<vmem>> -> memref<128x128xf32, #tpu.memory_space<vmem>>
      %dma_wait3A_171 = tpu.memref_slice %arg5[%add3A_158] : memref<25600xi32, #tpu.memory_space<vmem>> -> memref<128xi32, #tpu.memory_space<vmem>>
      %dma_wait3A_172 = arith.constant 0 : i32
      %dma_wait3A_173 = arith.constant 0 : i32
      %dma_wait3A_174 = tpu.memref_slice %arg3[%dma_wait3A_172, %dma_wait3A_173] : memref<1000000x128xf32, #tpu.memory_space<hbm>> -> memref<1000000x128xf32, #tpu.memory_space<hbm>>
      tpu.wait_indirect_dma semaphore(%arg8 : memref<!tpu.dma_semaphore, #tpu.memory_space<semaphore_mem>>) src(%dma_wait3A_174 : memref<1000000x128xf32, #tpu.memory_space<hbm>>) dst(%dma_wait3A_170 : memref<128x128xf32, #tpu.memory_space<vmem>>)
      %dma_wait3A_175 = arith.constant 1 : i32
      %dma_wait3A_176 = arith.constant 0 : i32
      %dma_wait3A_177 = arith.constant 0 : i32
      %dma_wait3A_178 = tpu.memref_slice %arg6[%dma_wait3A_175, %dma_wait3A_176, %dma_wait3A_177] : memref<2x256x128xf32, #tpu.memory_space<vmem>> -> memref<1x256x128xf32, #tpu.memory_space<vmem>>
      %dma_wait3A_179 = tpu.memref_squeeze %dma_wait3A_178 : memref<1x256x128xf32, #tpu.memory_space<vmem>> -> memref<256x128xf32, #tpu.memory_space<vmem>>
      %dma_wait3A_180 = arith.constant 128 : i32
      %dma_wait3A_181 = arith.constant 0 : i32
      %dma_wait3A_182 = tpu.memref_slice %dma_wait3A_179[%dma_wait3A_180, %dma_wait3A_181] : memref<256x128xf32, #tpu.memory_space<vmem>> -> memref<128x128xf32, #tpu.memory_space<vmem>>
      %dma_wait3A_183 = tpu.memref_slice %arg5[%add3A_162] : memref<25600xi32, #tpu.memory_space<vmem>> -> memref<128xi32, #tpu.memory_space<vmem>>
      %dma_wait3A_184 = arith.constant 0 : i32
      %dma_wait3A_185 = arith.constant 0 : i32
      %dma_wait3A_186 = tpu.memref_slice %arg3[%dma_wait3A_184, %dma_wait3A_185] : memref<1000000x128xf32, #tpu.memory_space<hbm>> -> memref<1000000x128xf32, #tpu.memory_space<hbm>>
      tpu.wait_indirect_dma semaphore(%arg8 : memref<!tpu.dma_semaphore, #tpu.memory_space<semaphore_mem>>) src(%dma_wait3A_186 : memref<1000000x128xf32, #tpu.memory_space<hbm>>) dst(%dma_wait3A_182 : memref<128x128xf32, #tpu.memory_space<vmem>>)
      %add3A_187 = arith.constant 1 : i32
      %add3A_188 = arith.addi %add3A_154, %add3A_187 : i32
      %rem3A_189 = arith.constant 100 : i32
      %rem3A_190 = arith.remsi %add3A_188, %rem3A_189 : i32
      %mul3A_191 = arith.constant 256 : i32
      %mul3A_192 = arith.muli %rem3A_190, %mul3A_191 : i32
      %add3A_193 = arith.constant 0 : i32
      %add3A_194 = arith.addi %mul3A_192, %add3A_193 : i32
      %mul3A_195 = arith.constant 256 : i32
      %mul3A_196 = arith.muli %rem3A_190, %mul3A_195 : i32
      %add3A_197 = arith.constant 128 : i32
      %add3A_198 = arith.addi %mul3A_196, %add3A_197 : i32
      %dma_start3A_199 = arith.constant 0 : i32
      %dma_start3A_200 = arith.constant 0 : i32
      %dma_start3A_201 = arith.constant 0 : i32
      %dma_start3A_202 = tpu.memref_slice %arg6[%dma_start3A_199, %dma_start3A_200, %dma_start3A_201] : memref<2x256x128xf32, #tpu.memory_space<vmem>> -> memref<1x256x128xf32, #tpu.memory_space<vmem>>
      %dma_start3A_203 = tpu.memref_squeeze %dma_start3A_202 : memref<1x256x128xf32, #tpu.memory_space<vmem>> -> memref<256x128xf32, #tpu.memory_space<vmem>>
      %dma_start3A_204 = arith.constant 0 : i32
      %dma_start3A_205 = arith.constant 0 : i32
      %dma_start3A_206 = tpu.memref_slice %dma_start3A_203[%dma_start3A_204, %dma_start3A_205] : memref<256x128xf32, #tpu.memory_space<vmem>> -> memref<128x128xf32, #tpu.memory_space<vmem>>
      %dma_start3A_207 = tpu.memref_slice %arg5[%add3A_194] : memref<25600xi32, #tpu.memory_space<vmem>> -> memref<128xi32, #tpu.memory_space<vmem>>
      %dma_start3A_208 = arith.constant 0 : i32
      %dma_start3A_209 = arith.constant 0 : i32
      %dma_start3A_210 = tpu.memref_slice %arg3[%dma_start3A_208, %dma_start3A_209] : memref<1000000x128xf32, #tpu.memory_space<hbm>> -> memref<1000000x128xf32, #tpu.memory_space<hbm>>
      tpu.enqueue_indirect_dma source(%dma_start3A_210 : memref<1000000x128xf32, #tpu.memory_space<hbm>>) target(%dma_start3A_206 : memref<128x128xf32, #tpu.memory_space<vmem>>) offsets(%dma_start3A_207 : memref<128xi32, #tpu.memory_space<vmem>>) semaphore(%arg8 : memref<!tpu.dma_semaphore, #tpu.memory_space<semaphore_mem>>)
      %dma_start3A_211 = arith.constant 0 : i32
      %dma_start3A_212 = arith.constant 0 : i32
      %dma_start3A_213 = arith.constant 0 : i32
      %dma_start3A_214 = tpu.memref_slice %arg6[%dma_start3A_211, %dma_start3A_212, %dma_start3A_213] : memref<2x256x128xf32, #tpu.memory_space<vmem>> -> memref<1x256x128xf32, #tpu.memory_space<vmem>>
      %dma_start3A_215 = tpu.memref_squeeze %dma_start3A_214 : memref<1x256x128xf32, #tpu.memory_space<vmem>> -> memref<256x128xf32, #tpu.memory_space<vmem>>
      %dma_start3A_216 = arith.constant 128 : i32
      %dma_start3A_217 = arith.constant 0 : i32
      %dma_start3A_218 = tpu.memref_slice %dma_start3A_215[%dma_start3A_216, %dma_start3A_217] : memref<256x128xf32, #tpu.memory_space<vmem>> -> memref<128x128xf32, #tpu.memory_space<vmem>>
      %dma_start3A_219 = tpu.memref_slice %arg5[%add3A_198] : memref<25600xi32, #tpu.memory_space<vmem>> -> memref<128xi32, #tpu.memory_space<vmem>>
      %dma_start3A_220 = arith.constant 0 : i32
      %dma_start3A_221 = arith.constant 0 : i32
      %dma_start3A_222 = tpu.memref_slice %arg3[%dma_start3A_220, %dma_start3A_221] : memref<1000000x128xf32, #tpu.memory_space<hbm>> -> memref<1000000x128xf32, #tpu.memory_space<hbm>>
      tpu.enqueue_indirect_dma source(%dma_start3A_222 : memref<1000000x128xf32, #tpu.memory_space<hbm>>) target(%dma_start3A_218 : memref<128x128xf32, #tpu.memory_space<vmem>>) offsets(%dma_start3A_219 : memref<128xi32, #tpu.memory_space<vmem>>) semaphore(%arg8 : memref<!tpu.dma_semaphore, #tpu.memory_space<semaphore_mem>>)
      %gt3A_223 = arith.constant 0 : i32
      %gt3A_224 = arith.cmpi sgt, %add3A_154, %gt3A_223 : i32
      %convert_element_type3A_225 = arith.extui %gt3A_224 : i1 to i32
      %cond3A_226 = arith.constant 0 : i32
      %cond3A_227 = arith.cmpi ne, %convert_element_type3A_225, %cond3A_226 : i32
      scf.if %cond3A_227 {
        %sub3A = arith.constant 1 : i32
        %sub3A_241 = arith.subi %add3A_154, %sub3A : i32
        %mul3A_242 = arith.constant 256 : i32
        %mul3A_243 = arith.muli %sub3A_241, %mul3A_242 : i32
        %add3A_244 = arith.addi %mul3A_2, %mul3A_243 : i32
        %dma_wait3A_245 = arith.constant 0 : i32
        %dma_wait3A_246 = tpu.memref_slice %arg4[%add3A_244, %dma_wait3A_245] : memref<819200x64xf32, #tpu.memory_space<hbm>> -> memref<256x64xf32, #tpu.memory_space<hbm>>
        %dma_wait3A_247 = arith.constant 0 : i32
        %dma_wait3A_248 = tpu.memref_slice %arg4[%add3A_244, %dma_wait3A_247] : memref<819200x64xf32, #tpu.memory_space<hbm>> -> memref<256x64xf32, #tpu.memory_space<hbm>>
        tpu.wait_dma2 semaphore(%arg9 : memref<!tpu.dma_semaphore, #tpu.memory_space<semaphore_mem>>) src(%arg7 : memref<256x64xf32, #tpu.memory_space<vmem>>) dst(%dma_wait3A_248 : memref<256x64xf32, #tpu.memory_space<hbm>>)
      } else {
      }
      %scan3A_228 = arith.constant 0 : i32
      %scan3A_229 = arith.constant 0 : i32
      %scan3A_230 = arith.constant 64 : i32
      %scan3A_231 = arith.addi %scan3A_229, %scan3A_230 : i32
      %scan3A_232 = arith.constant 1 : i32
      scf.for %scan3A_241 = %scan3A_229 to %scan3A_231 step %scan3A_232  : i32 {
        %mul3A_242 = arith.constant 4 : i32
        %mul3A_243 = arith.muli %scan3A_241, %mul3A_242 : i32
        %add3A_244 = arith.constant 0 : i32
        %add3A_245 = arith.addi %mul3A_243, %add3A_244 : i32
        %get3A = arith.constant 1 : i32
        %get3A_246 = arith.index_cast %get3A : i32 to index
        %get3A_247 = arith.index_cast %add3A_245 : i32 to index
        %get3A_248 = arith.constant 0 : index
        %get3A_249 = tpu.vector_load %arg6[%get3A_246, %get3A_247, %get3A_248] {strides = array<i32>} : memref<2x256x128xf32, #tpu.memory_space<vmem>>, vector<16xf32>,
        %mul3A_250 = arith.constant 8.000000e+00 : f32
        %mul3A_251 = vector.broadcast %mul3A_250 : f32 to vector<16xf32>
        %mul3A_252 = arith.mulf %get3A_249, %mul3A_251 : vector<16xf32>
        %swap3A = arith.index_cast %add3A_245 : i32 to index
        %swap3A_253 = arith.constant 0 : index
        %swap3A_254 = tpu.vector_load %arg7[%swap3A, %swap3A_253] {strides = array<i32>} : memref<256x64xf32, #tpu.memory_space<vmem>>, vector<16xf32>,
        tpu.vector_store %arg7[%swap3A, %swap3A_253], %mul3A_252 {strides = array<i32>} : memref<256x64xf32, #tpu.memory_space<vmem>>, vector<16xf32>,
        %get3A_255 = arith.constant 1 : i32
        %get3A_256 = arith.index_cast %get3A_255 : i32 to index
        %get3A_257 = arith.index_cast %add3A_245 : i32 to index
        %get3A_258 = arith.constant 16 : index
        %get3A_259 = tpu.vector_load %arg6[%get3A_256, %get3A_257, %get3A_258] {strides = array<i32>} : memref<2x256x128xf32, #tpu.memory_space<vmem>>, vector<16xf32>,
        %mul3A_260 = arith.constant 8.000000e+00 : f32
        %mul3A_261 = vector.broadcast %mul3A_260 : f32 to vector<16xf32>
        %mul3A_262 = arith.mulf %get3A_259, %mul3A_261 : vector<16xf32>
        %swap3A_263 = arith.index_cast %add3A_245 : i32 to index
        %swap3A_264 = arith.constant 16 : index
        %swap3A_265 = tpu.vector_load %arg7[%swap3A_263, %swap3A_264] {strides = array<i32>} : memref<256x64xf32, #tpu.memory_space<vmem>>, vector<16xf32>,
        tpu.vector_store %arg7[%swap3A_263, %swap3A_264], %mul3A_262 {strides = array<i32>} : memref<256x64xf32, #tpu.memory_space<vmem>>, vector<16xf32>,
        %get3A_266 = arith.constant 1 : i32
        %get3A_267 = arith.index_cast %get3A_266 : i32 to index
        %get3A_268 = arith.index_cast %add3A_245 : i32 to index
        %get3A_269 = arith.constant 32 : index
        %get3A_270 = tpu.vector_load %arg6[%get3A_267, %get3A_268, %get3A_269] {strides = array<i32>} : memref<2x256x128xf32, #tpu.memory_space<vmem>>, vector<16xf32>,
        %mul3A_271 = arith.constant 8.000000e+00 : f32
        %mul3A_272 = vector.broadcast %mul3A_271 : f32 to vector<16xf32>
        %mul3A_273 = arith.mulf %get3A_270, %mul3A_272 : vector<16xf32>
        %swap3A_274 = arith.index_cast %add3A_245 : i32 to index
        %swap3A_275 = arith.constant 32 : index
        %swap3A_276 = tpu.vector_load %arg7[%swap3A_274, %swap3A_275] {strides = array<i32>} : memref<256x64xf32, #tpu.memory_space<vmem>>, vector<16xf32>,
        tpu.vector_store %arg7[%swap3A_274, %swap3A_275], %mul3A_273 {strides = array<i32>} : memref<256x64xf32, #tpu.memory_space<vmem>>, vector<16xf32>,
        %get3A_277 = arith.constant 1 : i32
        %get3A_278 = arith.index_cast %get3A_277 : i32 to index
        %get3A_279 = arith.index_cast %add3A_245 : i32 to index
        %get3A_280 = arith.constant 48 : index
        %get3A_281 = tpu.vector_load %arg6[%get3A_278, %get3A_279, %get3A_280] {strides = array<i32>} : memref<2x256x128xf32, #tpu.memory_space<vmem>>, vector<16xf32>,
        %mul3A_282 = arith.constant 8.000000e+00 : f32
        %mul3A_283 = vector.broadcast %mul3A_282 : f32 to vector<16xf32>
        %mul3A_284 = arith.mulf %get3A_281, %mul3A_283 : vector<16xf32>
        %swap3A_285 = arith.index_cast %add3A_245 : i32 to index
        %swap3A_286 = arith.constant 48 : index
        %swap3A_287 = tpu.vector_load %arg7[%swap3A_285, %swap3A_286] {strides = array<i32>} : memref<256x64xf32, #tpu.memory_space<vmem>>, vector<16xf32>,
        tpu.vector_store %arg7[%swap3A_285, %swap3A_286], %mul3A_284 {strides = array<i32>} : memref<256x64xf32, #tpu.memory_space<vmem>>, vector<16xf32>,
        %mul3A_288 = arith.constant 4 : i32
        %mul3A_289 = arith.muli %scan3A_241, %mul3A_288 : i32
        %add3A_290 = arith.constant 1 : i32
        %add3A_291 = arith.addi %mul3A_289, %add3A_290 : i32
        %get3A_292 = arith.constant 1 : i32
        %get3A_293 = arith.index_cast %get3A_292 : i32 to index
        %get3A_294 = arith.index_cast %add3A_291 : i32 to index
        %get3A_295 = arith.constant 0 : index
        %get3A_296 = tpu.vector_load %arg6[%get3A_293, %get3A_294, %get3A_295] {strides = array<i32>} : memref<2x256x128xf32, #tpu.memory_space<vmem>>, vector<16xf32>,
        %mul3A_297 = arith.constant 8.000000e+00 : f32
        %mul3A_298 = vector.broadcast %mul3A_297 : f32 to vector<16xf32>
        %mul3A_299 = arith.mulf %get3A_296, %mul3A_298 : vector<16xf32>
        %swap3A_300 = arith.index_cast %add3A_291 : i32 to index
        %swap3A_301 = arith.constant 0 : index
        %swap3A_302 = tpu.vector_load %arg7[%swap3A_300, %swap3A_301] {strides = array<i32>} : memref<256x64xf32, #tpu.memory_space<vmem>>, vector<16xf32>,
        tpu.vector_store %arg7[%swap3A_300, %swap3A_301], %mul3A_299 {strides = array<i32>} : memref<256x64xf32, #tpu.memory_space<vmem>>, vector<16xf32>,
        %get3A_303 = arith.constant 1 : i32
        %get3A_304 = arith.index_cast %get3A_303 : i32 to index
        %get3A_305 = arith.index_cast %add3A_291 : i32 to index
        %get3A_306 = arith.constant 16 : index
        %get3A_307 = tpu.vector_load %arg6[%get3A_304, %get3A_305, %get3A_306] {strides = array<i32>} : memref<2x256x128xf32, #tpu.memory_space<vmem>>, vector<16xf32>,
        %mul3A_308 = arith.constant 8.000000e+00 : f32
        %mul3A_309 = vector.broadcast %mul3A_308 : f32 to vector<16xf32>
        %mul3A_310 = arith.mulf %get3A_307, %mul3A_309 : vector<16xf32>
        %swap3A_311 = arith.index_cast %add3A_291 : i32 to index
        %swap3A_312 = arith.constant 16 : index
        %swap3A_313 = tpu.vector_load %arg7[%swap3A_311, %swap3A_312] {strides = array<i32>} : memref<256x64xf32, #tpu.memory_space<vmem>>, vector<16xf32>,
        tpu.vector_store %arg7[%swap3A_311, %swap3A_312], %mul3A_310 {strides = array<i32>} : memref<256x64xf32, #tpu.memory_space<vmem>>, vector<16xf32>,
        %get3A_314 = arith.constant 1 : i32
        %get3A_315 = arith.index_cast %get3A_314 : i32 to index
        %get3A_316 = arith.index_cast %add3A_291 : i32 to index
        %get3A_317 = arith.constant 32 : index
        %get3A_318 = tpu.vector_load %arg6[%get3A_315, %get3A_316, %get3A_317] {strides = array<i32>} : memref<2x256x128xf32, #tpu.memory_space<vmem>>, vector<16xf32>,
        %mul3A_319 = arith.constant 8.000000e+00 : f32
        %mul3A_320 = vector.broadcast %mul3A_319 : f32 to vector<16xf32>
        %mul3A_321 = arith.mulf %get3A_318, %mul3A_320 : vector<16xf32>
        %swap3A_322 = arith.index_cast %add3A_291 : i32 to index
        %swap3A_323 = arith.constant 32 : index
        %swap3A_324 = tpu.vector_load %arg7[%swap3A_322, %swap3A_323] {strides = array<i32>} : memref<256x64xf32, #tpu.memory_space<vmem>>, vector<16xf32>,
        tpu.vector_store %arg7[%swap3A_322, %swap3A_323], %mul3A_321 {strides = array<i32>} : memref<256x64xf32, #tpu.memory_space<vmem>>, vector<16xf32>,
        %get3A_325 = arith.constant 1 : i32
        %get3A_326 = arith.index_cast %get3A_325 : i32 to index
        %get3A_327 = arith.index_cast %add3A_291 : i32 to index
        %get3A_328 = arith.constant 48 : index
        %get3A_329 = tpu.vector_load %arg6[%get3A_326, %get3A_327, %get3A_328] {strides = array<i32>} : memref<2x256x128xf32, #tpu.memory_space<vmem>>, vector<16xf32>,
        %mul3A_330 = arith.constant 8.000000e+00 : f32
        %mul3A_331 = vector.broadcast %mul3A_330 : f32 to vector<16xf32>
        %mul3A_332 = arith.mulf %get3A_329, %mul3A_331 : vector<16xf32>
        %swap3A_333 = arith.index_cast %add3A_291 : i32 to index
        %swap3A_334 = arith.constant 48 : index
        %swap3A_335 = tpu.vector_load %arg7[%swap3A_333, %swap3A_334] {strides = array<i32>} : memref<256x64xf32, #tpu.memory_space<vmem>>, vector<16xf32>,
        tpu.vector_store %arg7[%swap3A_333, %swap3A_334], %mul3A_332 {strides = array<i32>} : memref<256x64xf32, #tpu.memory_space<vmem>>, vector<16xf32>,
        %mul3A_336 = arith.constant 4 : i32
        %mul3A_337 = arith.muli %scan3A_241, %mul3A_336 : i32
        %add3A_338 = arith.constant 2 : i32
        %add3A_339 = arith.addi %mul3A_337, %add3A_338 : i32
        %get3A_340 = arith.constant 1 : i32
        %get3A_341 = arith.index_cast %get3A_340 : i32 to index
        %get3A_342 = arith.index_cast %add3A_339 : i32 to index
        %get3A_343 = arith.constant 0 : index
        %get3A_344 = tpu.vector_load %arg6[%get3A_341, %get3A_342, %get3A_343] {strides = array<i32>} : memref<2x256x128xf32, #tpu.memory_space<vmem>>, vector<16xf32>,
        %mul3A_345 = arith.constant 8.000000e+00 : f32
        %mul3A_346 = vector.broadcast %mul3A_345 : f32 to vector<16xf32>
        %mul3A_347 = arith.mulf %get3A_344, %mul3A_346 : vector<16xf32>
        %swap3A_348 = arith.index_cast %add3A_339 : i32 to index
        %swap3A_349 = arith.constant 0 : index
        %swap3A_350 = tpu.vector_load %arg7[%swap3A_348, %swap3A_349] {strides = array<i32>} : memref<256x64xf32, #tpu.memory_space<vmem>>, vector<16xf32>,
        tpu.vector_store %arg7[%swap3A_348, %swap3A_349], %mul3A_347 {strides = array<i32>} : memref<256x64xf32, #tpu.memory_space<vmem>>, vector<16xf32>,
        %get3A_351 = arith.constant 1 : i32
        %get3A_352 = arith.index_cast %get3A_351 : i32 to index
        %get3A_353 = arith.index_cast %add3A_339 : i32 to index
        %get3A_354 = arith.constant 16 : index
        %get3A_355 = tpu.vector_load %arg6[%get3A_352, %get3A_353, %get3A_354] {strides = array<i32>} : memref<2x256x128xf32, #tpu.memory_space<vmem>>, vector<16xf32>,
        %mul3A_356 = arith.constant 8.000000e+00 : f32
        %mul3A_357 = vector.broadcast %mul3A_356 : f32 to vector<16xf32>
        %mul3A_358 = arith.mulf %get3A_355, %mul3A_357 : vector<16xf32>
        %swap3A_359 = arith.index_cast %add3A_339 : i32 to index
        %swap3A_360 = arith.constant 16 : index
        %swap3A_361 = tpu.vector_load %arg7[%swap3A_359, %swap3A_360] {strides = array<i32>} : memref<256x64xf32, #tpu.memory_space<vmem>>, vector<16xf32>,
        tpu.vector_store %arg7[%swap3A_359, %swap3A_360], %mul3A_358 {strides = array<i32>} : memref<256x64xf32, #tpu.memory_space<vmem>>, vector<16xf32>,
        %get3A_362 = arith.constant 1 : i32
        %get3A_363 = arith.index_cast %get3A_362 : i32 to index
        %get3A_364 = arith.index_cast %add3A_339 : i32 to index
        %get3A_365 = arith.constant 32 : index
        %get3A_366 = tpu.vector_load %arg6[%get3A_363, %get3A_364, %get3A_365] {strides = array<i32>} : memref<2x256x128xf32, #tpu.memory_space<vmem>>, vector<16xf32>,
        %mul3A_367 = arith.constant 8.000000e+00 : f32
        %mul3A_368 = vector.broadcast %mul3A_367 : f32 to vector<16xf32>
        %mul3A_369 = arith.mulf %get3A_366, %mul3A_368 : vector<16xf32>
        %swap3A_370 = arith.index_cast %add3A_339 : i32 to index
        %swap3A_371 = arith.constant 32 : index
        %swap3A_372 = tpu.vector_load %arg7[%swap3A_370, %swap3A_371] {strides = array<i32>} : memref<256x64xf32, #tpu.memory_space<vmem>>, vector<16xf32>,
        tpu.vector_store %arg7[%swap3A_370, %swap3A_371], %mul3A_369 {strides = array<i32>} : memref<256x64xf32, #tpu.memory_space<vmem>>, vector<16xf32>,
        %get3A_373 = arith.constant 1 : i32
        %get3A_374 = arith.index_cast %get3A_373 : i32 to index
        %get3A_375 = arith.index_cast %add3A_339 : i32 to index
        %get3A_376 = arith.constant 48 : index
        %get3A_377 = tpu.vector_load %arg6[%get3A_374, %get3A_375, %get3A_376] {strides = array<i32>} : memref<2x256x128xf32, #tpu.memory_space<vmem>>, vector<16xf32>,
        %mul3A_378 = arith.constant 8.000000e+00 : f32
        %mul3A_379 = vector.broadcast %mul3A_378 : f32 to vector<16xf32>
        %mul3A_380 = arith.mulf %get3A_377, %mul3A_379 : vector<16xf32>
        %swap3A_381 = arith.index_cast %add3A_339 : i32 to index
        %swap3A_382 = arith.constant 48 : index
        %swap3A_383 = tpu.vector_load %arg7[%swap3A_381, %swap3A_382] {strides = array<i32>} : memref<256x64xf32, #tpu.memory_space<vmem>>, vector<16xf32>,
        tpu.vector_store %arg7[%swap3A_381, %swap3A_382], %mul3A_380 {strides = array<i32>} : memref<256x64xf32, #tpu.memory_space<vmem>>, vector<16xf32>,
        %mul3A_384 = arith.constant 4 : i32
        %mul3A_385 = arith.muli %scan3A_241, %mul3A_384 : i32
        %add3A_386 = arith.constant 3 : i32
        %add3A_387 = arith.addi %mul3A_385, %add3A_386 : i32
        %get3A_388 = arith.constant 1 : i32
        %get3A_389 = arith.index_cast %get3A_388 : i32 to index
        %get3A_390 = arith.index_cast %add3A_387 : i32 to index
        %get3A_391 = arith.constant 0 : index
        %get3A_392 = tpu.vector_load %arg6[%get3A_389, %get3A_390, %get3A_391] {strides = array<i32>} : memref<2x256x128xf32, #tpu.memory_space<vmem>>, vector<16xf32>,
        %mul3A_393 = arith.constant 8.000000e+00 : f32
        %mul3A_394 = vector.broadcast %mul3A_393 : f32 to vector<16xf32>
        %mul3A_395 = arith.mulf %get3A_392, %mul3A_394 : vector<16xf32>
        %swap3A_396 = arith.index_cast %add3A_387 : i32 to index
        %swap3A_397 = arith.constant 0 : index
        %swap3A_398 = tpu.vector_load %arg7[%swap3A_396, %swap3A_397] {strides = array<i32>} : memref<256x64xf32, #tpu.memory_space<vmem>>, vector<16xf32>,
        tpu.vector_store %arg7[%swap3A_396, %swap3A_397], %mul3A_395 {strides = array<i32>} : memref<256x64xf32, #tpu.memory_space<vmem>>, vector<16xf32>,
        %get3A_399 = arith.constant 1 : i32
        %get3A_400 = arith.index_cast %get3A_399 : i32 to index
        %get3A_401 = arith.index_cast %add3A_387 : i32 to index
        %get3A_402 = arith.constant 16 : index
        %get3A_403 = tpu.vector_load %arg6[%get3A_400, %get3A_401, %get3A_402] {strides = array<i32>} : memref<2x256x128xf32, #tpu.memory_space<vmem>>, vector<16xf32>,
        %mul3A_404 = arith.constant 8.000000e+00 : f32
        %mul3A_405 = vector.broadcast %mul3A_404 : f32 to vector<16xf32>
        %mul3A_406 = arith.mulf %get3A_403, %mul3A_405 : vector<16xf32>
        %swap3A_407 = arith.index_cast %add3A_387 : i32 to index
        %swap3A_408 = arith.constant 16 : index
        %swap3A_409 = tpu.vector_load %arg7[%swap3A_407, %swap3A_408] {strides = array<i32>} : memref<256x64xf32, #tpu.memory_space<vmem>>, vector<16xf32>,
        tpu.vector_store %arg7[%swap3A_407, %swap3A_408], %mul3A_406 {strides = array<i32>} : memref<256x64xf32, #tpu.memory_space<vmem>>, vector<16xf32>,
        %get3A_410 = arith.constant 1 : i32
        %get3A_411 = arith.index_cast %get3A_410 : i32 to index
        %get3A_412 = arith.index_cast %add3A_387 : i32 to index
        %get3A_413 = arith.constant 32 : index
        %get3A_414 = tpu.vector_load %arg6[%get3A_411, %get3A_412, %get3A_413] {strides = array<i32>} : memref<2x256x128xf32, #tpu.memory_space<vmem>>, vector<16xf32>,
        %mul3A_415 = arith.constant 8.000000e+00 : f32
        %mul3A_416 = vector.broadcast %mul3A_415 : f32 to vector<16xf32>
        %mul3A_417 = arith.mulf %get3A_414, %mul3A_416 : vector<16xf32>
        %swap3A_418 = arith.index_cast %add3A_387 : i32 to index
        %swap3A_419 = arith.constant 32 : index
        %swap3A_420 = tpu.vector_load %arg7[%swap3A_418, %swap3A_419] {strides = array<i32>} : memref<256x64xf32, #tpu.memory_space<vmem>>, vector<16xf32>,
        tpu.vector_store %arg7[%swap3A_418, %swap3A_419], %mul3A_417 {strides = array<i32>} : memref<256x64xf32, #tpu.memory_space<vmem>>, vector<16xf32>,
        %get3A_421 = arith.constant 1 : i32
        %get3A_422 = arith.index_cast %get3A_421 : i32 to index
        %get3A_423 = arith.index_cast %add3A_387 : i32 to index
        %get3A_424 = arith.constant 48 : index
        %get3A_425 = tpu.vector_load %arg6[%get3A_422, %get3A_423, %get3A_424] {strides = array<i32>} : memref<2x256x128xf32, #tpu.memory_space<vmem>>, vector<16xf32>,
        %mul3A_426 = arith.constant 8.000000e+00 : f32
        %mul3A_427 = vector.broadcast %mul3A_426 : f32 to vector<16xf32>
        %mul3A_428 = arith.mulf %get3A_425, %mul3A_427 : vector<16xf32>
        %swap3A_429 = arith.index_cast %add3A_387 : i32 to index
        %swap3A_430 = arith.constant 48 : index
        %swap3A_431 = tpu.vector_load %arg7[%swap3A_429, %swap3A_430] {strides = array<i32>} : memref<256x64xf32, #tpu.memory_space<vmem>>, vector<16xf32>,
        tpu.vector_store %arg7[%swap3A_429, %swap3A_430], %mul3A_428 {strides = array<i32>} : memref<256x64xf32, #tpu.memory_space<vmem>>, vector<16xf32>,
      }
      %scan3A_233 = arith.constant 64 : i32
      %mul3A_234 = arith.constant 256 : i32
      %mul3A_235 = arith.muli %add3A_154, %mul3A_234 : i32
      %add3A_236 = arith.addi %mul3A_2, %mul3A_235 : i32
      %dma_start3A_237 = arith.constant 0 : i32
      %dma_start3A_238 = tpu.memref_slice %arg4[%add3A_236, %dma_start3A_237] : memref<819200x64xf32, #tpu.memory_space<hbm>> -> memref<256x64xf32, #tpu.memory_space<hbm>>
      %dma_start3A_239 = arith.constant 0 : i32
      %dma_start3A_240 = tpu.memref_slice %arg4[%add3A_236, %dma_start3A_239] : memref<819200x64xf32, #tpu.memory_space<hbm>> -> memref<256x64xf32, #tpu.memory_space<hbm>>
      tpu.enqueue_dma source(%arg7 : memref<256x64xf32, #tpu.memory_space<vmem>>) target(%dma_start3A_240 : memref<256x64xf32, #tpu.memory_space<hbm>>) target_semaphore(%arg9 : memref<!tpu.dma_semaphore, #tpu.memory_space<semaphore_mem>>)
    }
    %scan3A_32 = arith.constant 50 : i32
    %dma_wait3A = arith.constant 0 : i32
    %dma_wait3A_33 = arith.constant 0 : i32
    %dma_wait3A_34 = arith.constant 0 : i32
    %dma_wait3A_35 = tpu.memref_slice %arg6[%dma_wait3A, %dma_wait3A_33, %dma_wait3A_34] : memref<2x256x128xf32, #tpu.memory_space<vmem>> -> memref<1x256x128xf32, #tpu.memory_space<vmem>>
    %dma_wait3A_36 = tpu.memref_squeeze %dma_wait3A_35 : memref<1x256x128xf32, #tpu.memory_space<vmem>> -> memref<256x128xf32, #tpu.memory_space<vmem>>
    %dma_wait3A_37 = arith.constant 0 : i32
    %dma_wait3A_38 = arith.constant 0 : i32
    %dma_wait3A_39 = tpu.memref_slice %dma_wait3A_36[%dma_wait3A_37, %dma_wait3A_38] : memref<256x128xf32, #tpu.memory_space<vmem>> -> memref<128x128xf32, #tpu.memory_space<vmem>>
    %dma_wait3A_40 = arith.constant 0 : i32
    %dma_wait3A_41 = tpu.memref_slice %arg5[%dma_wait3A_40] : memref<25600xi32, #tpu.memory_space<vmem>> -> memref<128xi32, #tpu.memory_space<vmem>>
    %dma_wait3A_42 = arith.constant 0 : i32
    %dma_wait3A_43 = arith.constant 0 : i32
    %dma_wait3A_44 = tpu.memref_slice %arg3[%dma_wait3A_42, %dma_wait3A_43] : memref<1000000x128xf32, #tpu.memory_space<hbm>> -> memref<1000000x128xf32, #tpu.memory_space<hbm>>
    tpu.wait_indirect_dma semaphore(%arg8 : memref<!tpu.dma_semaphore, #tpu.memory_space<semaphore_mem>>) src(%dma_wait3A_44 : memref<1000000x128xf32, #tpu.memory_space<hbm>>) dst(%dma_wait3A_39 : memref<128x128xf32, #tpu.memory_space<vmem>>)
    %dma_wait3A_45 = arith.constant 0 : i32
    %dma_wait3A_46 = arith.constant 0 : i32
    %dma_wait3A_47 = arith.constant 0 : i32
    %dma_wait3A_48 = tpu.memref_slice %arg6[%dma_wait3A_45, %dma_wait3A_46, %dma_wait3A_47] : memref<2x256x128xf32, #tpu.memory_space<vmem>> -> memref<1x256x128xf32, #tpu.memory_space<vmem>>
    %dma_wait3A_49 = tpu.memref_squeeze %dma_wait3A_48 : memref<1x256x128xf32, #tpu.memory_space<vmem>> -> memref<256x128xf32, #tpu.memory_space<vmem>>
    %dma_wait3A_50 = arith.constant 128 : i32
    %dma_wait3A_51 = arith.constant 0 : i32
    %dma_wait3A_52 = tpu.memref_slice %dma_wait3A_49[%dma_wait3A_50, %dma_wait3A_51] : memref<256x128xf32, #tpu.memory_space<vmem>> -> memref<128x128xf32, #tpu.memory_space<vmem>>
    %dma_wait3A_53 = arith.constant 128 : i32
    %dma_wait3A_54 = tpu.memref_slice %arg5[%dma_wait3A_53] : memref<25600xi32, #tpu.memory_space<vmem>> -> memref<128xi32, #tpu.memory_space<vmem>>
    %dma_wait3A_55 = arith.constant 0 : i32
    %dma_wait3A_56 = arith.constant 0 : i32
    %dma_wait3A_57 = tpu.memref_slice %arg3[%dma_wait3A_55, %dma_wait3A_56] : memref<1000000x128xf32, #tpu.memory_space<hbm>> -> memref<1000000x128xf32, #tpu.memory_space<hbm>>
    tpu.wait_indirect_dma semaphore(%arg8 : memref<!tpu.dma_semaphore, #tpu.memory_space<semaphore_mem>>) src(%dma_wait3A_57 : memref<1000000x128xf32, #tpu.memory_space<hbm>>) dst(%dma_wait3A_52 : memref<128x128xf32, #tpu.memory_space<vmem>>)
    %add3A_58 = arith.constant 25344 : i32
    %add3A_59 = arith.addi %mul3A_2, %add3A_58 : i32
    %dma_wait3A_60 = arith.constant 0 : i32
    %dma_wait3A_61 = tpu.memref_slice %arg4[%add3A_59, %dma_wait3A_60] : memref<819200x64xf32, #tpu.memory_space<hbm>> -> memref<256x64xf32, #tpu.memory_space<hbm>>
    %dma_wait3A_62 = arith.constant 0 : i32
    %dma_wait3A_63 = tpu.memref_slice %arg4[%add3A_59, %dma_wait3A_62] : memref<819200x64xf32, #tpu.memory_space<hbm>> -> memref<256x64xf32, #tpu.memory_space<hbm>>
    tpu.wait_dma2 semaphore(%arg9 : memref<!tpu.dma_semaphore, #tpu.memory_space<semaphore_mem>>) src(%arg7 : memref<256x64xf32, #tpu.memory_space<vmem>>) dst(%dma_wait3A_63 : memref<256x64xf32, #tpu.memory_space<hbm>>)
    return
  }
}

</mosaic_0001>

<sc_bundles>
// kernel: kernel.3.cloned.1.call-start
scs
__scs_entry_jumppad:
0x0: {  	(pc) =	sbr.rel $0x88, $3  }
0x1: {  	(tag) =	ssettag $0x0;
	lr =	simm.s32 $0x1  }
0x2: {  	[smem:$0x3F9F] =	sst lr;
	_ =	strace $0xD0000000  }
0x3: {  	_ = 	snop  }
0x4: {  	_ = 	snop  }
0x5: {  	_ = 	snop  }
0x6: {  	_ = 	snop  }
0x7: {  	_ = 	snop  }
__scs_overlays_trampoline_lowered:
0x8: {  	[smem:$0x3FAE] =	sst s0  }
0x9: {  	[smem:$0x3FAF] =	sst s1  }
0xa: {  	[smem:$0x3FB0] =	sst s2  }
0xb: {  	[smem:$0x3FB1] =	sst s3  }
0xc: {  	[smem:$0x3FB2] =	sst s4  }
0xd: {  	[smem:$0x3FB3] =	sst s5  }
0xe: {  	[smem:$0x3FB4] =	sst s6  }
0xf: {  	[smem:$0x3FB5] =	sst s7  }
0x10: {  	[smem:$0x3FB6] =	sst s8  }
0x11: {  	[smem:$0x3FB7] =	sst s9;
	s0 =	simm.s32 @!p0 $0x0  }
0x12: {  	s1 =	sld [smem:$0x3F9D];
	s0 =	simm.s32 @p0 $0x1  }
0x13: {  	[smem:$0x3FB8] =	sst s0;
	s0 =	simm.s32 @!p1 $0x0  }
0x14: {  	s2 =	sld [smem:$0x3F9C];
	s0 =	simm.s32 @p1 $0x1  }
0x15: {  	[smem:$0x3FB9] =	sst s0;
	s0 =	simm.s32 @!p2 $0x0  }
0x16: {  	s3 =	sld [smem:$0x3FDB];
	s0 =	simm.s32 @p2 $0x1  }
0x17: {  	s4 =	simm.s32 $0x1BF5;
	[smem:$0x3FBB] =	sst s0  }
0x18: {  	s0 =	sld [smem:$0x3F9E];
	_ =	swait.ge [sflag:s4], $0x0  }
0x19: {  	s7 =	sld [smem:$0x3F9F]  }
0x1a: {  	s8 =	sadd.s32 $0xFFFFE003, lr  }
0x1b: {  	s9 =	sadd.s32 $0xFFFFFEF7, lr;
	s5 =	simm.s32 $0xFFFFFFFF;
	p2 =	slt.u32 s8, $0xFFFFF086  }
0x1c: {  	p1 =	slt.u32 s9, $0xF7A;
	s5 =	simm.s32 @!p2 $0x0  }
0x1d: {  	s5 =	simm.s32 @p1 $0x1;
	p0 =	seq.s32 s7, s2  }
0x1e: {  	s7 =	smul.u32 @!p0 $0xF7A, s2;
	p2 =	seq.s32 @!p0 s5, $0x0  }
0x1f: {  	s9 =	smul.u32 $0xF7A, s1;
	s8 =	simm.s32 @!p0 $0x1BF5;
	p2 =	por !p2, p0  }
0x20: {  	[sflag:s8] =	ssyncset.s32 @!p0 $0xFFFFF086;
	s6 =	sadd.s32 @!p0 s3, s7;
	s7 =	simm.s32 @!p0 $0x108  }
0x21: {  	s3 =	sadd.s32 s3, s9;
	s6 =	sadd.s32 @!p0 $0x88, s6;
	s7 =	simm.s32 @p2 $0x1082  }
0x22: {  	[simem:s7], [sflag:s8] =	dma.local @!p0 [hbm:s6], $0xF7A  }
0x23: {  	s9 =	sor.u32 $0xD0000000, s2;
	s6 =	simm.s32 $0x108;
	_ =	swait.ge @!p0 [sflag:s8], $0x0  }
0x24: {  	s3 =	sadd.s32 $0x88, s3;
	s6 =	simm.s32 @!p1 $0x1082;
	[sflag:s4] =	ssyncset.s32 $0xFFFFF086  }
0x25: {  	[simem:s6], [sflag:s4] =	dma.local [hbm:s3], $0xF7A  }
0x26: {  	[smem:$0x3F9F] =	sst s1;
	(tag) =	ssettag s2;
	_ =	strace s9  }
0x27: {  	s1 =	sld [smem:$0x3FAF]  }
0x28: {  	s2 =	sld [smem:$0x3FB0]  }
0x29: {  	s4 =	sld [smem:$0x3FB2]  }
0x2a: {  	p0 =	seq.s32 s5, $0x0;
	s5 =	sld [smem:$0x3FB3]  }
0x2b: {  	s6 =	sld [smem:$0x3FB4]  }
0x2c: {  	s7 =	sld [smem:$0x3FB5]  }
0x2d: {  	s3 =	simm.s32 $0x108;
	s8 =	sld [smem:$0x3FB6]  }
0x2e: {  	s3 =	simm.s32 @!p0 $0x1082;
	s9 =	sld [smem:$0x3FB7]  }
0x2f: {  	lr =	sadd.s32 s0, s3;
	s0 =	sld [smem:$0x3FAE]  }
0x30: {  	s3 =	sld [smem:$0x3FB1]  }
0x31: {  	[smem:$0x3FBA] =	sst s10  }
0x32: {  	s10 =	sld [smem:$0x3FB8];
	_ =	sdelay $0x3  }
0x33: {  	p0 =	seq.s32 s10, $0x1;
	s10 =	sld [smem:$0x3FBA];
	_ =	sdelay $0x3  }
0x34: {  	[smem:$0x3FBA] =	sst s10  }
0x35: {  	s10 =	sld [smem:$0x3FB9];
	_ =	sdelay $0x3  }
0x36: {  	p1 =	seq.s32 s10, $0x1;
	s10 =	sld [smem:$0x3FBA];
	_ =	sdelay $0x3  }
0x37: {  	[smem:$0x3FBA] =	sst s10  }
0x38: {  	s10 =	sld [smem:$0x3FBB]  }
0x39: {  	_ = 	snop;
	(pc) =	sbr.ind lr, $3  }
0x3a: {  	_ = 	snop  }
0x3b: {  	_ = 	snop  }
0x3c: {  	p2 =	seq.s32 s10, $0x1;
	s10 =	sld [smem:$0x3FBA]  }
0x3d: {  	_ =	shalt  }
0x3e: {  	_ =	shalt  }
0x3f: {  	_ =	shalt  }
0x40: {  	_ =	shalt  }
0x41: {  	_ =	shalt  }
0x42: {  	_ =	shalt  }
0x43: {  	_ =	shalt  }
0x44: {  	_ =	shalt  }
0x45: {  	_ =	shalt  }
0x46: {  	_ =	shalt  }
0x47: {  	_ =	shalt  }
0x48: {  	_ =	shalt  }
0x49: {  	_ =	shalt  }
0x4a: {  	_ =	shalt  }
0x4b: {  	_ =	shalt  }
0x4c: {  	_ =	shalt  }
0x4d: {  	_ =	shalt  }
0x4e: {  	_ =	shalt  }
0x4f: {  	_ =	shalt  }
0x50: {  	_ =	shalt  }
0x51: {  	_ =	shalt  }
0x52: {  	_ =	shalt  }
0x53: {  	_ =	shalt  }
0x54: {  	_ =	shalt  }
0x55: {  	_ =	shalt  }
0x56: {  	_ =	shalt  }
0x57: {  	_ =	shalt  }
0x58: {  	_ =	shalt  }
0x59: {  	_ =	shalt  }
0x5a: {  	_ =	shalt  }
0x5b: {  	_ =	shalt  }
0x5c: {  	_ =	shalt  }
0x5d: {  	_ =	shalt  }
0x5e: {  	_ =	shalt  }
0x5f: {  	_ =	shalt  }
0x60: {  	_ =	shalt  }
0x61: {  	_ =	shalt  }
0x62: {  	_ =	shalt  }
0x63: {  	_ =	shalt  }
0x64: {  	_ =	shalt  }
0x65: {  	_ =	shalt  }
0x66: {  	_ =	shalt  }
0x67: {  	_ =	shalt  }
0x68: {  	_ =	shalt  }
0x69: {  	_ =	shalt  }
0x6a: {  	_ =	shalt  }
0x6b: {  	_ =	shalt  }
0x6c: {  	_ =	shalt  }
0x6d: {  	_ =	shalt  }
0x6e: {  	_ =	shalt  }
0x6f: {  	_ =	shalt  }
0x70: {  	_ =	shalt  }
0x71: {  	_ =	shalt  }
0x72: {  	_ =	shalt  }
0x73: {  	_ =	shalt  }
0x74: {  	_ =	shalt  }
0x75: {  	_ =	shalt  }
0x76: {  	_ =	shalt  }
0x77: {  	_ =	shalt  }
0x78: {  	_ =	shalt  }
0x79: {  	_ =	shalt  }
0x7a: {  	_ =	shalt  }
0x7b: {  	_ =	shalt  }
0x7c: {  	_ =	shalt  }
0x7d: {  	_ =	shalt  }
0x7e: {  	_ =	shalt  }
0x7f: {  	_ =	shalt  }
0x80: {  	_ =	shalt  }
0x81: {  	_ =	shalt  }
0x82: {  	_ =	shalt  }
0x83: {  	_ =	shalt  }
0x84: {  	_ =	shalt  }
0x85: {  	_ =	shalt  }
0x86: {  	_ =	shalt  }
0x87: {  	_ =	shalt  }
.Lfunc_end0:
.L_simem_size_0:
called_computation.1_lowered:
.L_overlay_start_0:
0x88: {  	s2 =	sld [smem:$0x3FD9]  }
0x89: {  	s3 =	sld [smem:$0x3FFE];
	_ =	sdelay $0x1  }
0x8a: {  	s1 =	srdreg.scid  }
0x8b: {  	s0 =	sand.u32 $0x1, s1  }
0x8c: {  	s17 =	sshll.u32 s0, $0xA;
	s2 =	sadd.s32 s3, s2  }
0x8d: {  	s2 =	sadd.s32 s2, s17  }
0x8e: {  	[smem:$0x3FC6] =	sst s2  }
0x8f: {  	_ = 	snop  }
0x90: {  	s2 =	sld [smem:$0x3FD0];
	(tm) =	ssettm $0x1  }
0x91: {  	s18 =	sld [smem:$0x3FFB];
	_ =	sdelay $0x3  }
0x92: {  	_ =	strace s18  }
0x93: {  	s3 =	sld [smem:$0x3FFC];
	_ =	sdelay $0x3  }
0x94: {  	_ =	strace s3  }
0x95: {  	s3 =	sld [smem:$0x3FFD];
	_ =	sdelay $0x3  }
0x96: {  	_ =	strace s3  }
0x97: {  	_ =	strace $0x8FFFFFFF  }
0x98: {  	s19 =	sld [smem:$0x3FDB];
	_ =	sdelay $0x1  }
0x99: {  	s4 =	simm.s32 $_scs_section_size  }
0x9a: {  	s5 =	simm.s32 $_size__tile_overlayer_lowered;
	s6 =	simm.s32 $_tile_overlayer_lowered  }
0x9b: {  	s22 =	simm.s32 $0x1BFF;
	s21 =	sshll.u32 s6, $0x1;
	s3 =	sadd.s32 s4, s19  }
0x9c: {  	s7 =	simm.s32 $0x0;
	s20 =	sshll.u32 s5, $0x1;
	s5 =	sadd.s32 s21, s3  }
0x9d: {  	[timem:s7], [sflag:s22] =	dma.local [hbm:s5], s20  }
0x9e: {  	_ =	swait.ge [sflag:s22], s20  }
0x9f: {  	s4 =	ssub.s32 $0x0, s20;
	[sflag:s22] =	ssyncset.done $0x0  }
0xa0: {  	[sflag:s22] =	ssyncadd.s32 s4;
	_ =	sdelay $0x1  }
0xa1: {  	s23 =	simm.s32 $0x1B8B  }
0xa2: {  	_ =	swait.ge [sflag:s23], $0x1  }
0xa3: {  	[sflag:s23] =	ssyncset.done $0x0  }
0xa4: {  	s25 =	simm.s32 $0x1B8E;
	s24 =	sld [smem:$0x3FFE];
	[sflag:s23] =	ssyncadd.s32 $0xFFFFFFFF  }
0xa5: {  	s26 =	simm.s32 $execute0_lowered;
	[smem:$0x3FD2] =	sst s25  }
0xa6: {  	s5 =	sshll.u32 s26, $0x1;
	_ =	strace $0x80000046;
	[dreg:$0x1] =	wrdreg $0xFFFFFFFF  }
0xa7: {  	s28 =	simm.s32 $_size_execute0_lowered;
	s3 =	sadd.s32 s3, s5;
	[dreg:$0x0] =	wrdreg $0x0  }
0xa8: {  	s5 =	sshll.u32 s28, $0x1;
	[dreg:$0x2] =	wrdreg s3  }
0xa9: {  	[dreg:$0x3] =	wrdreg s5  }
0xaa: {  	[dreg:$0x4] =	wrdreg $0xC0  }
0xab: {  	_ =	task [dreg:s7], $0x5FFFF  }
0xac: {  	[dreg:$0x1] =	wrdreg $0xFFFFFFFF  }
0xad: {  	[dreg:$0x0] =	wrdreg $0x60  }
0xae: {  	[dreg:$0x2] =	wrdreg s2  }
0xaf: {  	[dreg:$0x3] =	wrdreg s24  }
0xb0: {  	[dreg:$0x4] =	wrdreg $0x9  }
0xb1: {  	_ =	task.clear_ibuf [dreg:s7], $0x5FFFF;
	_ =	strace $0x90000046  }
0xb2: {  	s29 =	simm.s32 $0x9;
	_ =	strace $0x80000048  }
0xb3: {  	_ =	swait.ge [sflag:s29], $0x1  }
0xb4: {  	[sflag:s29] =	ssyncadd.s32 $0xFFFFFFFF  }
0xb5: {  	_ =	strace $0x90000048  }
0xb6: {  	_ =	sfence  }
0xb7: {  	s30 =	sld [smem:$0x0];
	_ =	sdelay $0x2  }
0xb8: {  	s31 =	sshll.u32 s1, $0xD;
	s1 =	sshrl.u32 s1, $0x2  }
0xb9: {  	s3 =	sand.u32 $0x4000, s31;
	s1 =	sadd.s32 s1, s30  }
0xba: {  	s0 =	sor.u32 s3, s0;
	s1 =	sshll.u32 s1, $0x11  }
0xbb: {  	s0 =	sor.u32 s1, s0  }
0xbc: {  	s0 =	sadd.s32 $0x8F2B, s0  }
0xbd: {  	[sflag:s0] =	ssyncadd.remote.s32 $0x1  }
0xbe: {  	_ =	sfence.sel $0xFFFF  }
0xbf: {  	[dreg:$0x0] =	wrdreg $0xFFFFFFFF;
	(pc) =	sbr.abs _section_cstart, $3  }
0xc0: {  	[dreg:$0x1] =	wrdreg $0xFFFFFFFF  }
0xc1: {  	_ =	task.clear_ibuf [dreg:s7], $0x2FFFF;
	_ =	strace $0x9FFFFFFF  }
0xc2: {  	(tm) =	ssettm $0x7FFFFFFF  }
0xc3: {  	_ =	shalt  }
tec
execute0_lowered:
.L_overlay_start_1:
0x0: {  	(tag) =	ssettag $0x1  }
0x1: {  	s5 =	rddreg [dreg:$0x0]  }
0x2: {  	s1 =	srdreg.scid;
	s0 =	stileid.u32  }
0x3: {  	s4 =	rddreg [dreg:$0x1];
	s2 =	simm.s32 $0x0;
	s10 =	simm.s32 $0x6400  }
0x4: {  	s11 =	simm.s32 $0xA400;
	s12 =	simm.s32 $0x1;
	s13 =	simm.s32 $0xE400  }
0x5: {  	s14 =	simm.s32 $0x12400;
	s15 =	simm.s32 $0x16400;
	s16 =	simm.s32 $0x2  }
0x6: {  	s3 =	sand.u32 $0x1, s1;
	s6 =	sshll.u32 s0, $0x1;
	s1 =	rddreg [dreg:$0x2]  }
0x7: {  	s17 =	simm.s32 $0x0;
	[smem:$0x7FF] =	sst s2;
	s6 =	sor.u32 s3, s6  }
0x8: {  	s7 =	ssub.s32 $0x2, s3;
	_ =	strace $0x80000047;
	s3 =	sadd.s32 $0xF42E00, s4  }
0x9: {  	s4 =	sadd.s32 $0xA00, s4;
	s8 =	smul.u32 $0xC80, s6;
	s9 =	sshrl.u32 s7, $0x1  }
0xa: {  	s6 =	smul.u32 $0x320000, s6;
	s7 =	ssub.s32 s7, s9;
	s9 =	simm.s32 $0x80  }
0xb: {  	s5 =	sadd.s32 s5, s8;
	s7 =	smax.u32 s7, $0x1;
	s8 =	simm.s32 $0x3  }
.LBB2_1:
0xc: {  	[tilespmem:s2], [sflag:$0x3] =	stream.linear.gather [hbm4b:s5+s2], $0x6400, $0x38;
	[tilespmem:$0x1E400] =	vst v63  }
0xd: {  	_ =	swait.ge [sflag:s8], $0x6400  }
0xe: {  	[sflag:s8] =	ssyncset.done $0x0  }
0xf: {  	[sflag:s8] =	ssyncadd.s32 $0xFFFF9C00  }
0x10: {  	[tilespmem:s10], [sflag:$0x1] =	stream.indirect.gather [hbm4b:s3+s9], $0x80, s2, s9, $0xb8;
	[tilespmem:$0x1E400] =	vst v63  }
0x11: {  	s18 =	simm.s32 $0x0  }
0x12: {  	[tilespmem:s11], [sflag:$0x1] =	stream.indirect.gather [hbm4b:s3+s9], $0x80, s9, s9, $0xb8;
	[tilespmem:$0x1E400] =	vst v63  }
.LBB2_2:
0x13: {  	_ =	swait.ge [sflag:s12], $0x4000  }
0x14: {  	[sflag:s12] =	ssyncset.done $0x0  }
0x15: {  	[sflag:s12] =	ssyncadd.s32 $0xFFFFC000  }
0x16: {  	s19 =	sshllo.u32 s18, $0x1;
	_ =	swait.ge [sflag:s12], $0x4000  }
0x17: {  	s20 =	sshll.u32 s19, $0x8;
	[sflag:s12] =	ssyncset.done $0x0  }
0x18: {  	s20 =	sand.u32 $0x3FFFFF00, s20;
	[sflag:s12] =	ssyncadd.s32 $0xFFFFC000  }
0x19: {  	[tilespmem:s13], [sflag:$0x1] =	stream.indirect.gather [hbm4b:s3+s9], $0x80, s20, s9, $0xb8;
	[tilespmem:$0x1E400] =	vst v63  }
0x1a: {  	p0 =	seq.s32 s18, $0x0;
	s20 =	sor.u32 $0x80, s20  }
0x1b: {  	[tilespmem:s14], [sflag:$0x1] =	stream.indirect.gather [hbm4b:s3+s9], $0x80, s20, s9, $0xb8;
	[tilespmem:$0x1E400] =	vst v63  }
0x1c: {  	s20 =	simm.s32 @!p0 $0x2  }
0x1d: {  	_ =	swait.ge @!p0 [sflag:s20], $0x8000  }
0x1e: {  	[sflag:s20] =	ssyncset.done @!p0 $0x0  }
0x1f: {  	s21 =	simm.s32 $0x0;
	[sflag:s20] =	ssyncadd.s32 @!p0 $0xFFFF8000  }
0x20: {  	v0 =	vld [tilespmem:s21+$0x65B0]  }
0x21: {  	v1 =	vld [tilespmem:s21+$0x6400]  }
0x22: {  	v2 =	vld [tilespmem:s21+$0x6410]  }
0x23: {  	v3 =	vld [tilespmem:s21+$0x6420]  }
0x24: {  	v6 =	vld [tilespmem:s21+$0x6490]  }
0x25: {  	v4 =	vld [tilespmem:s21+$0x6430];
	v0 =	vmul.f32 $8.000000000e+00, v0  }
0x26: {  	v5 =	vld [tilespmem:s21+$0x6480];
	v1 =	vmul.f32 $8.000000000e+00, v1  }
0x27: {  	v7 =	vld [tilespmem:s21+$0x64A0];
	[tilespmem:s21+$0x165B0] =	vst v0;
	v0 =	vmul.f32 $8.000000000e+00, v2  }
0x28: {  	v8 =	vld [tilespmem:s21+$0x64B0];
	[tilespmem:s21+$0x16400] =	vst v1;
	v1 =	vmul.f32 $8.000000000e+00, v3  }
0x29: {  	v2 =	vmul.f32 $8.000000000e+00, v6;
	[tilespmem:s21+$0x16410] =	vst v0  }
0x2a: {  	v9 =	vld [tilespmem:s21+$0x6500];
	v0 =	vmul.f32 $8.000000000e+00, v4;
	[tilespmem:s21+$0x16420] =	vst v1  }
0x2b: {  	v4 =	vld [tilespmem:s21+$0x6510];
	v1 =	vmul.f32 $8.000000000e+00, v5;
	[tilespmem:s21+$0x16490] =	vst v2  }
0x2c: {  	v3 =	vmul.f32 $8.000000000e+00, v7;
	[tilespmem:s21+$0x16430] =	vst v0;
	v0 =	vld [tilespmem:s21+$0x6520]  }
0x2d: {  	v5 =	vmul.f32 $8.000000000e+00, v8;
	[tilespmem:s21+$0x16480] =	vst v1;
	v1 =	vld [tilespmem:s21+$0x6530]  }
0x2e: {  	v2 =	vld [tilespmem:s21+$0x6580];
	[tilespmem:s21+$0x164A0] =	vst v3  }
0x2f: {  	v3 =	vld [tilespmem:s21+$0x6590];
	[tilespmem:s21+$0x164B0] =	vst v5;
	v5 =	vmul.f32 $8.000000000e+00, v9  }
0x30: {  	s22 =	simm.s32 $0x200;
	s23 =	simm.s32 $0x1000;
	s20 =	sshll.u32 s18, $0x1;
	v6 =	vmul.f32 $8.000000000e+00, v4;
	v4 =	vld [tilespmem:s21+$0x65A0]  }
.LBB2_3:
0x31: {  	p0 =	sne.s32 s23, $0x1F800;
	v7 =	vld [tilespmem:s22+$0x65B0];
	[tilespmem:s21+$0x16500] =	vst v5;
	v0 =	vmul.f32 $8.000000000e+00, v0  }
0x32: {  	v5 =	vld [tilespmem:s22+$0x6400];
	[tilespmem:s21+$0x16510] =	vst v6;
	v1 =	vmul.f32 $8.000000000e+00, v1  }
0x33: {  	v6 =	vld [tilespmem:s22+$0x6410];
	[tilespmem:s21+$0x16520] =	vst v0;
	v0 =	vmul.f32 $8.000000000e+00, v2  }
0x34: {  	v2 =	vld [tilespmem:s22+$0x6420];
	[tilespmem:s21+$0x16530] =	vst v1;
	v1 =	vmul.f32 $8.000000000e+00, v3  }
0x35: {  	v3 =	vld [tilespmem:s22+$0x6430];
	[tilespmem:s21+$0x16580] =	vst v0;
	v0 =	vmul.f32 $8.000000000e+00, v4  }
0x36: {  	v4 =	vld [tilespmem:s22+$0x6480];
	v7 =	vmul.f32 $8.000000000e+00, v7;
	[tilespmem:s21+$0x16590] =	vst v1  }
0x37: {  	v1 =	vmul.f32 $8.000000000e+00, v5;
	v5 =	vld [tilespmem:s22+$0x6490];
	[tilespmem:s21+$0x165A0] =	vst v0;
	s21 =	smov.u32 s22  }
0x38: {  	v0 =	vmul.f32 $8.000000000e+00, v6;
	v6 =	vld [tilespmem:s21+$0x64A0];
	[tilespmem:s21+$0x165B0] =	vst v7  }
0x39: {  	[tilespmem:s21+$0x16400] =	vst v1;
	v1 =	vmul.f32 $8.000000000e+00, v2;
	v2 =	vld [tilespmem:s21+$0x64B0]  }
0x3a: {  	[tilespmem:s21+$0x16410] =	vst v0;
	v0 =	vmul.f32 $8.000000000e+00, v3;
	v3 =	vld [tilespmem:s21+$0x6500]  }
0x3b: {  	[tilespmem:s21+$0x16420] =	vst v1;
	v1 =	vmul.f32 $8.000000000e+00, v4;
	v4 =	vld [tilespmem:s21+$0x6510]  }
.Ltmp0:
0x3c: {  	[tilespmem:s21+$0x16430] =	vst v0;
	v5 =	vmul.f32 $8.000000000e+00, v5;
	v0 =	vld [tilespmem:s21+$0x6520];
	(pc) =	sbr.rel @p0 .LBB2_3-.Ltmp0, $4  }
0x3d: {  	[tilespmem:s21+$0x16480] =	vst v1;
	v6 =	vmul.f32 $8.000000000e+00, v6;
	v1 =	vld [tilespmem:s21+$0x6530]  }
0x3e: {  	[tilespmem:s21+$0x16490] =	vst v5;
	v7 =	vmul.f32 $8.000000000e+00, v2;
	v2 =	vld [tilespmem:s21+$0x6580]  }
0x3f: {  	[tilespmem:s21+$0x164A0] =	vst v6;
	v5 =	vmul.f32 $8.000000000e+00, v3;
	v3 =	vld [tilespmem:s21+$0x6590]  }
0x40: {  	s22 =	sshra.s32 s23, $0x2;
	s23 =	sadd.s32 $0x800, s23;
	[tilespmem:s21+$0x164B0] =	vst v7;
	v6 =	vmul.f32 $8.000000000e+00, v4;
	v4 =	vld [tilespmem:s21+$0x65A0]  }
0x41: {  	v7 =	vld [tilespmem:s22+$0x65B0];
	[tilespmem:s21+$0x16500] =	vst v5;
	v0 =	vmul.f32 $8.000000000e+00, v0  }
0x42: {  	v5 =	vld [tilespmem:s22+$0x6400];
	[tilespmem:s21+$0x16510] =	vst v6;
	v1 =	vmul.f32 $8.000000000e+00, v1  }
0x43: {  	v6 =	vld [tilespmem:s22+$0x6410];
	[tilespmem:s21+$0x16520] =	vst v0;
	v2 =	vmul.f32 $8.000000000e+00, v2  }
0x44: {  	v0 =	vld [tilespmem:s22+$0x6420];
	[tilespmem:s21+$0x16530] =	vst v1;
	v3 =	vmul.f32 $8.000000000e+00, v3  }
0x45: {  	v1 =	vld [tilespmem:s22+$0x6430];
	[tilespmem:s21+$0x16580] =	vst v2;
	v4 =	vmul.f32 $8.000000000e+00, v4  }
0x46: {  	v2 =	vld [tilespmem:s22+$0x6480];
	[tilespmem:s21+$0x16590] =	vst v3;
	v7 =	vmul.f32 $8.000000000e+00, v7  }
0x47: {  	v3 =	vld [tilespmem:s22+$0x6490];
	[tilespmem:s21+$0x165A0] =	vst v4;
	v4 =	vmul.f32 $8.000000000e+00, v5  }
0x48: {  	v5 =	vld [tilespmem:s22+$0x64A0];
	[tilespmem:s22+$0x165B0] =	vst v7;
	v6 =	vmul.f32 $8.000000000e+00, v6  }
0x49: {  	[tilespmem:s22+$0x16400] =	vst v4;
	v4 =	vld [tilespmem:s22+$0x64B0];
	v0 =	vmul.f32 $8.000000000e+00, v0  }
0x4a: {  	[tilespmem:s22+$0x16410] =	vst v6;
	v6 =	vld [tilespmem:s22+$0x6500];
	v1 =	vmul.f32 $8.000000000e+00, v1  }
0x4b: {  	[tilespmem:s22+$0x16420] =	vst v0;
	v0 =	vld [tilespmem:s22+$0x6510];
	v2 =	vmul.f32 $8.000000000e+00, v2  }
0x4c: {  	[tilespmem:s22+$0x16430] =	vst v1;
	v1 =	vld [tilespmem:s22+$0x6520];
	v3 =	vmul.f32 $8.000000000e+00, v3  }
0x4d: {  	[tilespmem:s22+$0x16480] =	vst v2;
	v2 =	vld [tilespmem:s22+$0x6530];
	v5 =	vmul.f32 $8.000000000e+00, v5  }
0x4e: {  	[tilespmem:s22+$0x16490] =	vst v3;
	v3 =	vld [tilespmem:s22+$0x6580];
	v4 =	vmul.f32 $8.000000000e+00, v4  }
0x4f: {  	[tilespmem:s22+$0x164A0] =	vst v5;
	v5 =	vld [tilespmem:s22+$0x6590];
	v6 =	vmul.f32 $8.000000000e+00, v6  }
0x50: {  	[tilespmem:s22+$0x164B0] =	vst v4;
	v0 =	vmul.f32 $8.000000000e+00, v0;
	v4 =	vld [tilespmem:s22+$0x65A0]  }
0x51: {  	[tilespmem:s22+$0x16500] =	vst v6;
	v1 =	vmul.f32 $8.000000000e+00, v1  }
0x52: {  	[tilespmem:s22+$0x16510] =	vst v0;
	v0 =	vmul.f32 $8.000000000e+00, v2  }
0x53: {  	[tilespmem:s22+$0x16520] =	vst v1;
	v1 =	vmul.f32 $8.000000000e+00, v3  }
0x54: {  	s30 =	sshll.u32 s18, $0x10;
	[tilespmem:s22+$0x16530] =	vst v0;
	v0 =	vmul.f32 $8.000000000e+00, v5  }
0x55: {  	s21 =	sadd.s32 s6, s30;
	[tilespmem:s22+$0x16580] =	vst v1;
	v1 =	vmul.f32 $8.000000000e+00, v4  }
0x56: {  	s21 =	sshrl.u32 s21, $0x3;
	[tilespmem:s22+$0x16590] =	vst v0  }
0x57: {  	s31 =	simm.s32 $0x0;
	s21 =	sadd.s32 s4, s21;
	[tilespmem:s22+$0x165A0] =	vst v1  }
0x58: {  	[hbm4b:s21+s31] =	stream.linear.scatter [tilespmem:s15], [sflag:$0x2], $0x8000, $0x38;
	[tilespmem:$0x1E400] =	vst v63  }
0x59: {  	_ =	swait.ge [sflag:s12], $0x4000  }
0x5a: {  	[sflag:s12] =	ssyncset.done $0x0  }
0x5b: {  	s20 =	sadd.s32 $0x2, s20;
	[sflag:s12] =	ssyncadd.s32 $0xFFFFC000  }
0x5c: {  	p0 =	seq.s32 s20, $0x64;
	s20 =	sshll.u32 s20, $0xA;
	_ =	swait.ge [sflag:s12], $0x4000  }
0x5d: {  	s20 =	simm.s32 @p0 $0x0;
	[sflag:s12] =	ssyncset.done $0x0  }
0x5e: {  	s20 =	sshrl.u32 s20, $0x2;
	[sflag:s12] =	ssyncadd.s32 $0xFFFFC000  }
0x5f: {  	[tilespmem:s10], [sflag:$0x1] =	stream.indirect.gather [hbm4b:s3+s9], $0x80, s20, s9, $0xb8;
	[tilespmem:$0x1E400] =	vst v63  }
0x60: {  	s20 =	sor.u32 $0x80, s20  }
0x61: {  	[tilespmem:s11], [sflag:$0x1] =	stream.indirect.gather [hbm4b:s3+s9], $0x80, s20, s9, $0xb8;
	[tilespmem:$0x1E400] =	vst v63  }
0x62: {  	_ =	swait.ge [sflag:s16], $0x8000  }
0x63: {  	[sflag:s16] =	ssyncset.done $0x0  }
0x64: {  	s20 =	simm.s32 $0x0;
	[sflag:s16] =	ssyncadd.s32 $0xFFFF8000  }
0x65: {  	v0 =	vld [tilespmem:s20+$0xE5B0]  }
0x66: {  	v1 =	vld [tilespmem:s20+$0xE400]  }
0x67: {  	v2 =	vld [tilespmem:s20+$0xE410]  }
0x68: {  	v3 =	vld [tilespmem:s20+$0xE420]  }
0x69: {  	v6 =	vld [tilespmem:s20+$0xE490]  }
0x6a: {  	v4 =	vld [tilespmem:s20+$0xE430];
	v0 =	vmul.f32 $8.000000000e+00, v0  }
0x6b: {  	v5 =	vld [tilespmem:s20+$0xE480];
	v1 =	vmul.f32 $8.000000000e+00, v1  }
0x6c: {  	v7 =	vld [tilespmem:s20+$0xE4A0];
	[tilespmem:s20+$0x165B0] =	vst v0;
	v0 =	vmul.f32 $8.000000000e+00, v2  }
0x6d: {  	v8 =	vld [tilespmem:s20+$0xE4B0];
	[tilespmem:s20+$0x16400] =	vst v1;
	v1 =	vmul.f32 $8.000000000e+00, v3  }
0x6e: {  	v2 =	vmul.f32 $8.000000000e+00, v6;
	[tilespmem:s20+$0x16410] =	vst v0  }
0x6f: {  	v9 =	vld [tilespmem:s20+$0xE500];
	v0 =	vmul.f32 $8.000000000e+00, v4;
	[tilespmem:s20+$0x16420] =	vst v1  }
0x70: {  	v4 =	vld [tilespmem:s20+$0xE510];
	v1 =	vmul.f32 $8.000000000e+00, v5;
	[tilespmem:s20+$0x16490] =	vst v2  }
0x71: {  	v3 =	vmul.f32 $8.000000000e+00, v7;
	[tilespmem:s20+$0x16430] =	vst v0;
	v0 =	vld [tilespmem:s20+$0xE520]  }
0x72: {  	v5 =	vmul.f32 $8.000000000e+00, v8;
	[tilespmem:s20+$0x16480] =	vst v1;
	v1 =	vld [tilespmem:s20+$0xE530]  }
0x73: {  	v2 =	vld [tilespmem:s20+$0xE580];
	[tilespmem:s20+$0x164A0] =	vst v3  }
0x74: {  	v3 =	vld [tilespmem:s20+$0xE590];
	[tilespmem:s20+$0x164B0] =	vst v5;
	v5 =	vmul.f32 $8.000000000e+00, v9  }
0x75: {  	s22 =	simm.s32 $0x1000;
	s21 =	simm.s32 $0x200;
	v6 =	vmul.f32 $8.000000000e+00, v4;
	v4 =	vld [tilespmem:s20+$0xE5A0]  }
.LBB2_5:
0x76: {  	p0 =	sne.s32 s22, $0x1F800;
	v7 =	vld [tilespmem:s21+$0xE5B0];
	[tilespmem:s20+$0x16500] =	vst v5;
	v0 =	vmul.f32 $8.000000000e+00, v0  }
0x77: {  	v5 =	vld [tilespmem:s21+$0xE400];
	[tilespmem:s20+$0x16510] =	vst v6;
	v1 =	vmul.f32 $8.000000000e+00, v1  }
0x78: {  	v6 =	vld [tilespmem:s21+$0xE410];
	[tilespmem:s20+$0x16520] =	vst v0;
	v0 =	vmul.f32 $8.000000000e+00, v2  }
0x79: {  	v2 =	vld [tilespmem:s21+$0xE420];
	[tilespmem:s20+$0x16530] =	vst v1;
	v1 =	vmul.f32 $8.000000000e+00, v3  }
0x7a: {  	v3 =	vld [tilespmem:s21+$0xE430];
	[tilespmem:s20+$0x16580] =	vst v0;
	v0 =	vmul.f32 $8.000000000e+00, v4  }
0x7b: {  	v4 =	vld [tilespmem:s21+$0xE480];
	v7 =	vmul.f32 $8.000000000e+00, v7;
	[tilespmem:s20+$0x16590] =	vst v1  }
0x7c: {  	v1 =	vmul.f32 $8.000000000e+00, v5;
	v5 =	vld [tilespmem:s21+$0xE490];
	[tilespmem:s20+$0x165A0] =	vst v0;
	s20 =	smov.u32 s21  }
0x7d: {  	v0 =	vmul.f32 $8.000000000e+00, v6;
	v6 =	vld [tilespmem:s20+$0xE4A0];
	[tilespmem:s20+$0x165B0] =	vst v7  }
0x7e: {  	[tilespmem:s20+$0x16400] =	vst v1;
	v1 =	vmul.f32 $8.000000000e+00, v2;
	v2 =	vld [tilespmem:s20+$0xE4B0]  }
0x7f: {  	[tilespmem:s20+$0x16410] =	vst v0;
	v0 =	vmul.f32 $8.000000000e+00, v3;
	v3 =	vld [tilespmem:s20+$0xE500]  }
0x80: {  	[tilespmem:s20+$0x16420] =	vst v1;
	v1 =	vmul.f32 $8.000000000e+00, v4;
	v4 =	vld [tilespmem:s20+$0xE510]  }
.Ltmp1:
0x81: {  	[tilespmem:s20+$0x16430] =	vst v0;
	v5 =	vmul.f32 $8.000000000e+00, v5;
	v0 =	vld [tilespmem:s20+$0xE520];
	(pc) =	sbr.rel @p0 .LBB2_5-.Ltmp1, $4  }
0x82: {  	[tilespmem:s20+$0x16480] =	vst v1;
	v6 =	vmul.f32 $8.000000000e+00, v6;
	v1 =	vld [tilespmem:s20+$0xE530]  }
0x83: {  	[tilespmem:s20+$0x16490] =	vst v5;
	v7 =	vmul.f32 $8.000000000e+00, v2;
	v2 =	vld [tilespmem:s20+$0xE580]  }
0x84: {  	[tilespmem:s20+$0x164A0] =	vst v6;
	v5 =	vmul.f32 $8.000000000e+00, v3;
	v3 =	vld [tilespmem:s20+$0xE590]  }
0x85: {  	s21 =	sshra.s32 s22, $0x2;
	s22 =	sadd.s32 $0x800, s22;
	[tilespmem:s20+$0x164B0] =	vst v7;
	v6 =	vmul.f32 $8.000000000e+00, v4;
	v4 =	vld [tilespmem:s20+$0xE5A0]  }
0x86: {  	v7 =	vld [tilespmem:s21+$0xE5B0];
	[tilespmem:s20+$0x16500] =	vst v5;
	v0 =	vmul.f32 $8.000000000e+00, v0  }
0x87: {  	v5 =	vld [tilespmem:s21+$0xE400];
	[tilespmem:s20+$0x16510] =	vst v6;
	v1 =	vmul.f32 $8.000000000e+00, v1  }
0x88: {  	v6 =	vld [tilespmem:s21+$0xE410];
	[tilespmem:s20+$0x16520] =	vst v0;
	v2 =	vmul.f32 $8.000000000e+00, v2  }
0x89: {  	v0 =	vld [tilespmem:s21+$0xE420];
	[tilespmem:s20+$0x16530] =	vst v1;
	v3 =	vmul.f32 $8.000000000e+00, v3  }
0x8a: {  	v1 =	vld [tilespmem:s21+$0xE430];
	[tilespmem:s20+$0x16580] =	vst v2;
	v4 =	vmul.f32 $8.000000000e+00, v4  }
0x8b: {  	v2 =	vld [tilespmem:s21+$0xE480];
	[tilespmem:s20+$0x16590] =	vst v3;
	v7 =	vmul.f32 $8.000000000e+00, v7  }
0x8c: {  	v3 =	vld [tilespmem:s21+$0xE490];
	[tilespmem:s20+$0x165A0] =	vst v4;
	v50 =	vmul.f32 $8.000000000e+00, v5  }
0x8d: {  	v51 =	vld [tilespmem:s21+$0xE4A0];
	[tilespmem:s21+$0x165B0] =	vst v7;
	v6 =	vmul.f32 $8.000000000e+00, v6  }
0x8e: {  	v52 =	vld [tilespmem:s21+$0xE4B0];
	[tilespmem:s21+$0x16400] =	vst v50;
	v0 =	vmul.f32 $8.000000000e+00, v0  }
0x8f: {  	v53 =	vld [tilespmem:s21+$0xE500];
	[tilespmem:s21+$0x16410] =	vst v6;
	v1 =	vmul.f32 $8.000000000e+00, v1  }
0x90: {  	v54 =	vld [tilespmem:s21+$0xE510];
	[tilespmem:s21+$0x16420] =	vst v0;
	v2 =	vmul.f32 $8.000000000e+00, v2  }
0x91: {  	v55 =	vld [tilespmem:s21+$0xE520];
	[tilespmem:s21+$0x16430] =	vst v1;
	v3 =	vmul.f32 $8.000000000e+00, v3  }
0x92: {  	v56 =	vld [tilespmem:s21+$0xE530];
	[tilespmem:s21+$0x16480] =	vst v2;
	v5 =	vmul.f32 $8.000000000e+00, v51  }
0x93: {  	v57 =	vld [tilespmem:s21+$0xE580];
	v4 =	vmul.f32 $8.000000000e+00, v52;
	[tilespmem:s21+$0x16490] =	vst v3  }
0x94: {  	v58 =	vld [tilespmem:s21+$0xE590];
	v6 =	vmul.f32 $8.000000000e+00, v53;
	[tilespmem:s21+$0x164A0] =	vst v5  }
0x95: {  	v59 =	vld [tilespmem:s21+$0xE5A0];
	v0 =	vmul.f32 $8.000000000e+00, v54;
	[tilespmem:s21+$0x164B0] =	vst v4  }
0x96: {  	v1 =	vmul.f32 $8.000000000e+00, v55;
	[tilespmem:s21+$0x16500] =	vst v6  }
0x97: {  	s18 =	sadd.s32 $0x1, s18;
	v60 =	vmul.f32 $8.000000000e+00, v56;
	[tilespmem:s21+$0x16510] =	vst v0  }
0x98: {  	p0 =	sne.s32 s18, $0x32;
	v61 =	vmul.f32 $8.000000000e+00, v57;
	[tilespmem:s21+$0x16520] =	vst v1  }
.Ltmp2:
0x99: {  	s19 =	sshll.u32 s19, $0xF;
	v62 =	vmul.f32 $8.000000000e+00, v58;
	[tilespmem:s21+$0x16530] =	vst v60;
	(pc) =	sbr.rel @p0 .LBB2_2-.Ltmp2, $4  }
0x9a: {  	s19 =	sadd.s32 s6, s19;
	v63 =	vmul.f32 $8.000000000e+00, v59;
	[tilespmem:s21+$0x16580] =	vst v61  }
0x9b: {  	s19 =	sshrl.u32 s19, $0x3;
	[tilespmem:s21+$0x16590] =	vst v62  }
0x9c: {  	s19 =	sadd.s32 s4, s19;
	[tilespmem:s21+$0x165A0] =	vst v63  }
0x9d: {  	[hbm4b:s19+s2] =	stream.linear.scatter [tilespmem:s15], [sflag:$0x2], $0x8000, $0x38;
	[tilespmem:$0x1E400] =	vst v63  }
0x9e: {  	_ =	swait.ge [sflag:s12], $0x4000  }
0x9f: {  	[sflag:s12] =	ssyncset.done $0x0  }
0xa0: {  	s17 =	sadd.s32 $0x1, s17;
	[sflag:s12] =	ssyncadd.s32 $0xFFFFC000  }
0xa1: {  	p0 =	sne.s32 s17, s7;
	_ =	swait.ge [sflag:s12], $0x4000  }
.Ltmp3:
0xa2: {  	[sflag:s12] =	ssyncset.done $0x0;
	(pc) =	sbr.rel @p0 .LBB2_1-.Ltmp3, $4  }
0xa3: {  	[sflag:s12] =	ssyncadd.s32 $0xFFFFC000  }
0xa4: {  	_ =	swait.ge [sflag:s16], $0x8000  }
0xa5: {  	[sflag:s16] =	ssyncset.done $0x0  }
0xa6: {  	[sflag:s16] =	ssyncadd.s32 $0xFFFF8000  }
0xa7: {  	_ =	sfence.sel $0x180000  }
0xa8: {  	[bflag:$0x0] =	sbarrier.arrive $0xFFFF  }
0xa9: {  	p0 =	sne.s32 s0, $0x0;
	_ =	strace $0x90000047  }
0xaa: {  	s0 =	sadd.s32 @!p0 $0x100000, s1;
	[bflag:$0x2] =	sbarrier.arrive $0xFFFF  }
0xab: {  	[sflag:s0] =	ssyncadd.tile.s32 @!p0 $0x1;
	_ =	shalt  }
.Lfunc_end2:
_tile_overlayer_lowered:
.L_overlay_start_2:
0xac: {  	(tag) =	ssettag $0x2  }
0xad: {  	s0 =	rddreg [dreg:$0x0];
	s2 =	stileid.u32  }
0xae: {  	s1 =	rddreg [dreg:$0x1];
	p0 =	sne.s32 s2, $0x0  }
0xaf: {  	s3 =	rddreg [dreg:$0x2];
	[bflag:$0x3] =	sbarrier.arrive $0xFFFF;
	s2 =	simm.s32 @!p0 $0x1C03  }
0xb0: {  	[timem:s3], [sflag:s2] =	dma.local @!p0 [hbm:s0], s1  }
0xb1: {  	s0 =	simm.s32 @!p0 $0x3  }
0xb2: {  	_ =	swait.ge @!p0 [sflag:s0], s1  }
0xb3: {  	s1 =	ssub.s32 @!p0 $0x0, s1;
	[sflag:s0] =	ssyncset.done @!p0 $0x0  }
0xb4: {  	[sflag:s0] =	ssyncadd.s32 @!p0 s1  }
0xb5: {  	[bflag:$0x3] =	sbarrier.arrive $0xFFFF  }
0xb6: {  	_ =	shalt  }

// kernel: sparse-core-data-format-call.cloned.1.call-start
scs
called_computation_lowered:
.L_overlay_start_0:
0x0: {  	s2 =	sld [smem:$0x3FD9]  }
0x1: {  	s3 =	sld [smem:$0x3FFE];
	_ =	sdelay $0x1  }
0x2: {  	s1 =	srdreg.scid  }
0x3: {  	s0 =	sand.u32 $0x1, s1  }
0x4: {  	s18 =	sshll.u32 s0, $0xA;
	s2 =	sadd.s32 s3, s2  }
0x5: {  	s2 =	sadd.s32 s2, s18  }
0x6: {  	[smem:$0x3FC6] =	sst s2  }
0x7: {  	_ = 	snop  }
0x8: {  	s2 =	sld [smem:$0x3FD0];
	(tm) =	ssettm $0x1  }
0x9: {  	s19 =	sld [smem:$0x3FFB];
	_ =	sdelay $0x3  }
0xa: {  	_ =	strace s19  }
0xb: {  	s3 =	sld [smem:$0x3FFC];
	_ =	sdelay $0x3  }
0xc: {  	_ =	strace s3  }
0xd: {  	s3 =	sld [smem:$0x3FFD];
	_ =	sdelay $0x3  }
0xe: {  	_ =	strace s3  }
0xf: {  	_ =	strace $0x8FFFFFFF  }
0x10: {  	s20 =	sld [smem:$0x3FDB];
	_ =	sdelay $0x1  }
0x11: {  	s4 =	simm.s32 $_scs_section_size  }
0x12: {  	s5 =	simm.s32 $_size__tile_overlayer_lowered;
	s6 =	simm.s32 $_tile_overlayer_lowered  }
0x13: {  	s23 =	simm.s32 $0x1BFF;
	s22 =	sshll.u32 s6, $0x1;
	s3 =	sadd.s32 s4, s20  }
0x14: {  	s7 =	simm.s32 $0x0;
	s21 =	sshll.u32 s5, $0x1;
	s5 =	sadd.s32 s22, s3  }
0x15: {  	[timem:s7], [sflag:s23] =	dma.local [hbm:s5], s21  }
0x16: {  	_ =	swait.ge [sflag:s23], s21  }
0x17: {  	s4 =	ssub.s32 $0x0, s21;
	[sflag:s23] =	ssyncset.done $0x0  }
0x18: {  	[sflag:s23] =	ssyncadd.s32 s4;
	_ =	sdelay $0x1  }
0x19: {  	s24 =	simm.s32 $0x1B8B  }
0x1a: {  	_ =	swait.ge [sflag:s24], $0x1  }
0x1b: {  	[sflag:s24] =	ssyncset.done $0x0  }
0x1c: {  	s26 =	simm.s32 $0x1B8E;
	s25 =	sld [smem:$0x3FFE];
	[sflag:s24] =	ssyncadd.s32 $0xFFFFFFFF  }
0x1d: {  	s27 =	simm.s32 $execute0_lowered;
	[smem:$0x3FD2] =	sst s26  }
0x1e: {  	s5 =	sshll.u32 s27, $0x1;
	_ =	strace $0x80000049;
	[dreg:$0x1] =	wrdreg $0xFFFFFFFF  }
0x1f: {  	s28 =	simm.s32 $_size_execute0_lowered;
	s3 =	sadd.s32 s3, s5;
	[dreg:$0x0] =	wrdreg $0x0  }
0x20: {  	s5 =	sshll.u32 s28, $0x1;
	[dreg:$0x2] =	wrdreg s3  }
0x21: {  	[dreg:$0x3] =	wrdreg s5  }
0x22: {  	[dreg:$0x4] =	wrdreg $0xC0  }
0x23: {  	_ =	task [dreg:s7], $0x5FFFF  }
0x24: {  	[dreg:$0x1] =	wrdreg $0xFFFFFFFF  }
0x25: {  	[dreg:$0x0] =	wrdreg $0x60  }
0x26: {  	[dreg:$0x2] =	wrdreg s25  }
0x27: {  	[dreg:$0x3] =	wrdreg s2  }
0x28: {  	[dreg:$0x4] =	wrdreg $0x9  }
0x29: {  	_ =	task.clear_ibuf [dreg:s7], $0x5FFFF;
	_ =	strace $0x90000049  }
0x2a: {  	s29 =	simm.s32 $0x9;
	_ =	strace $0x8000004B  }
0x2b: {  	_ =	swait.ge [sflag:s29], $0x1  }
0x2c: {  	[sflag:s29] =	ssyncadd.s32 $0xFFFFFFFF  }
0x2d: {  	_ =	strace $0x9000004B  }
0x2e: {  	_ =	sfence  }
0x2f: {  	s30 =	sld [smem:$0x0];
	_ =	sdelay $0x2  }
0x30: {  	s31 =	sshll.u32 s1, $0xD;
	s1 =	sshrl.u32 s1, $0x2  }
0x31: {  	s3 =	sand.u32 $0x4000, s31;
	s1 =	sadd.s32 s1, s30  }
0x32: {  	s0 =	sor.u32 s3, s0;
	s1 =	sshll.u32 s1, $0x11  }
0x33: {  	s0 =	sor.u32 s1, s0  }
0x34: {  	s0 =	sadd.s32 $0x8F2B, s0  }
0x35: {  	[sflag:s0] =	ssyncadd.remote.s32 $0x1  }
0x36: {  	_ =	sfence.sel $0xFFFF  }
0x37: {  	[dreg:$0x0] =	wrdreg $0xFFFFFFFF;
	(pc) =	sbr.abs _section_cstart, $3  }
0x38: {  	[dreg:$0x1] =	wrdreg $0xFFFFFFFF  }
0x39: {  	_ =	task.clear_ibuf [dreg:s7], $0x2FFFF;
	_ =	strace $0x9FFFFFFF  }
0x3a: {  	(tm) =	ssettm $0x7FFFFFFF  }
0x3b: {  	_ =	shalt  }
tec
execute0_lowered:
.L_overlay_start_1:
0x0: {  	(tag) =	ssettag $0x1  }
0x1: {  	s0 =	srdreg.scid  }
0x2: {  	s1 =	sshll.u32 s0, $0x4  }
0x3: {  	s0 =	stileid.u32;
	s1 =	sand.u32 $0x10, s1  }
0x4: {  	s1 =	sor.u32 s0, s1  }
0x5: {  	s6 =	rddreg [dreg:$0x0];
	s4 =	simm.s32 $0x1;
	s2 =	sshll.u32 s1, $0x7  }
0x6: {  	s7 =	simm.s32 $0x2;
	s12 =	simm.s32 $0x0;
	s1 =	ssub.s32 $0x1000, s2  }
0x7: {  	s8 =	simm.s32 $0x8000;
	s13 =	simm.s32 $0x0;
	s3 =	sand.u32 $0xF80, s1  }
0x8: {  	s9 =	simm.s32 $0x0;
	s5 =	sshrl.u32 s1, $0xC;
	p0 =	sne.s32 s3, $0x0  }
.Ltmp0:
0x9: {  	s1 =	rddreg [dreg:$0x2];
	s4 =	simm.s32 @!p0 $0x0;
	(pc) =	sbr.rel .LBB1_1-.Ltmp0, $4  }
0xa: {  	s11 =	simm.s32 $0x0;
	s3 =	rddreg [dreg:$0x1];
	s5 =	sadd.s32 s4, s5  }
0xb: {  	_ =	strace $0x8000004A;
	s4 =	simm.s32 $0x1;
	s5 =	smul.u32 $0xC8, s5  }
0xc: {  	s6 =	sadd.s32 $0xA00, s6;
	s10 =	smov.u32 s2;
	[sflag:s4] =	ssyncpa.u1 $0x0  }
0xd: {  	p0 =	por $0x0, $0x0;
	[sflag:s7] =	ssyncpa.u1 $0x0;
	s7 =	sor.u32 $0x1, s5  }
.LBB1_4:
0xe: {  	s16 =	sshll.u32 s13, $0x3;
	s17 =	sand.u32 $0x78, s13  }
0xf: {  	s30 =	sand.u32 $0x7E00, s13;
	s12 =	sshll.u32 s12, $0xF;
	s16 =	sand.u32 $0xC00, s16  }
0x10: {  	[tilespmem:s15+$0x810 ss:$0x81] =	vst.msk $0xffff, v2;
	s31 =	sand.u32 $0x7, s13;
	s16 =	sor.u32 s17, s16;
	s17 =	sadd.s32 s3, s30  }
0x11: {  	[tilespmem:s15+$0x1020 ss:$0x81] =	vst.msk $0xffff, v0;
	s13 =	sshll.u32 s31, $0x12;
	s12 =	sadd.s32 s12, s17;
	s16 =	sshrl.u32 s16, $0x3  }
0x12: {  	[tilespmem:s15+$0x0 ss:$0x81] =	vst.msk $0xffff, v1;
	s13 =	sor.u32 $0x400, s13;
	s12 =	sadd.s32 s16, s12  }
0x13: {  	[hbm4b:s12+s13] =	stream.strided.scatter [tilespmem:s14], [sflag:$0x2], $0x2000, s8, s13, $0x20;
	[tilespmem:$0x8080] =	vst v63  }
.LBB1_5:
0x14: {  	s14 =	sadd.s32 $0x1, s9  }
0x15: {  	s12 =	sadd.s32 $0x1000, s10;
	s16 =	smov.u32 s10;
	p2 =	sgt.s32 s14, $0xC7  }
0x16: {  	s16 =	smov.u32 @p2 s12  }
0x17: {  	s14 =	simm.s32 @p2 $0x0;
	p2 =	sgt.s32 s16, $0xFFF  }
0x18: {  	s16 =	smov.u32 @p2 s2;
	p2 =	sne.s32 s11, s7  }
.Ltmp1:
0x19: {  	p1 =	slt.u32 s11, $0x2;
	(pc) =	sbr.rel @!p2 .LBB1_6-.Ltmp1, $4  }
0x1a: {  	s15 =	simm.s32 @!p1 $0x2  }
0x1b: {  	s13 =	smov.u32 s10;
	p0 =	por !p0, !p0;
	_ =	swait.ge @!p1 [sflag:s15], $0x2000  }
0x1c: {  	s12 =	smov.u32 s9;
	[sflag:s15] =	ssyncset.done @!p1 $0x0;
	s9 =	smov.u32 s14  }
0x1d: {  	s11 =	sadd.s32 $0x1, s11;
	[sflag:s15] =	ssyncadd.s32 @!p1 $0xFFFFE000;
	s10 =	smov.u32 s16  }
.LBB1_1:
0x1e: {  	p1 =	sge.u32 s11, s5  }
0x1f: {  	s14 =	sand.u32 @!p1 $0x1FFFFFF, s9  }
0x20: {  	s15 =	smulhi.u32 @!p1 $0x147AE15, s14;
	_ =	sdelay $0x1  }
0x21: {  	s15 =	smul.u32 @!p1 $0xC8, s15  }
0x22: {  	s16 =	sxor.u32 @!p1 $0xFFFFFFFF, s11;
	s17 =	smul.u32 @!p1 $0xC80, s10  }
0x23: {  	s31 =	sadd.s32 $0xFFFFFFFF, s11;
	s16 =	sshll.u32 @!p1 s16, $0xD;
	s14 =	ssub.s32 @!p1 s14, s15  }
0x24: {  	s15 =	sand.u32 @!p1 $0x2000, s16;
	s16 =	sadd.s32 @!p1 s6, s17;
	s14 =	sshll.u32 @!p1 s14, $0x4  }
0x25: {  	s17 =	simm.s32 @!p1 $0x6400;
	s14 =	sadd.s32 @!p1 s14, s16;
	s16 =	simm.s32 @!p1 $0x40  }
0x26: {  	[tilespmem:s15], [sflag:$0x1] =	stream.strided.gather @!p1 [hbm4b:s14+s16], $0x2000, s17, s16, $0x38;
	[tilespmem:$0x8080] =	vst v63  }
0x27: {  	p1 =	sge.u32 s31, s5  }
.Ltmp2:
0x28: {  	_ = 	snop;
	(pc) =	sbr.rel @p1 .LBB1_5-.Ltmp2, $1  }
0x29: {  	_ =	sdelay $0x3  }
0x2a: {  	s14 =	simm.s32 $0x1  }
0x2b: {  	_ =	swait.ge [sflag:s4], $0x2000;
	s14 =	simm.s32 @!p0 $0x0  }
0x2c: {  	[sflag:s4] =	ssyncset.done $0x0;
	s15 =	sshll.u32 s14, $0xD  }
0x2d: {  	[sflag:s4] =	ssyncadd.s32 $0xFFFFE000;
	s18 =	sor.u32 $0x20, s15  }
0x2e: {  	s14 =	smul.u32 $0x8100, s14;
	v3 =	vld [tilespmem:s18+$0x10]  }
0x2f: {  	s30 =	sand.u32 $0x1, s11;
	v2 =	vld [tilespmem:s18+$0xFFFFFFF0]  }
0x30: {  	s15 =	smul.u32 $0x8100, s30;
	s14 =	sshrl.u32 s14, $0x2;
	v0 =	vld [tilespmem:s18+$0x0]  }
0x31: {  	v1 =	vld [tilespmem:s18+$0xFFFFFFE0];
	s16 =	sor.u32 $0x4000, s14  }
0x32: {  	s31 =	sshrl.u32 s15, $0x2;
	s15 =	sadd.s32 $0x0, s16  }
0x33: {  	s17 =	simm.s32 $0x4;
	s18 =	sadd.s32 $0x40, s18;
	s14 =	sor.u32 $0x4000, s31;
	[tilespmem:s15+$0x1830 ss:$0x81] =	vst.msk $0xffff, v3  }
.LBB1_3:
0x34: {  	v3 =	vld [tilespmem:s18+$0x10];
	p1 =	sne.s32 s17, $0x1FC;
	[tilespmem:s15+$0x810 ss:$0x81] =	vst.msk $0xffff, v2;
	s19 =	smov.u32 s17;
	s17 =	sadd.s32 $0x4, s17  }
.Ltmp3:
0x35: {  	v2 =	vld [tilespmem:s18+$0xFFFFFFF0];
	[tilespmem:s15+$0x1020 ss:$0x81] =	vst.msk $0xffff, v0;
	(pc) =	sbr.rel @p1 .LBB1_3-.Ltmp3, $4  }
0x36: {  	v0 =	vld [tilespmem:s18+$0x0];
	[tilespmem:s15+$0x0 ss:$0x81] =	vst.msk $0xffff, v1  }
0x37: {  	s15 =	sshra.s32 s19, $0x2;
	v1 =	vld [tilespmem:s18+$0xFFFFFFE0]  }
0x38: {  	s15 =	sadd.s32 s15, s16  }
0x39: {  	s18 =	sadd.s32 $0x40, s18;
	[tilespmem:s15+$0x1830 ss:$0x81] =	vst.msk $0xffff, v3  }
.Ltmp4:
0x3a: {  	_ = 	snop;
	(pc) =	sbr.rel .LBB1_4-.Ltmp4, $1  }
0x3b: {  	_ =	sdelay $0x3  }
.LBB1_6:
0x3c: {  	_ =	sfence.sel $0x180000  }
0x3d: {  	s2 =	simm.s32 $0x1;
	[bflag:$0x0] =	sbarrier.arrive $0xFFFF  }
0x3e: {  	s31 =	simm.s32 $0x2;
	[sflag:s2] =	ssyncpa.u1 $0x1  }
0x3f: {  	[sflag:s31] =	ssyncpa.u1 $0x1  }
0x40: {  	p0 =	sne.s32 s0, $0x0;
	_ =	strace $0x9000004A  }
0x41: {  	s0 =	sadd.s32 @!p0 $0x100000, s1;
	[bflag:$0x2] =	sbarrier.arrive $0xFFFF  }
0x42: {  	[sflag:s0] =	ssyncadd.tile.s32 @!p0 $0x1;
	_ =	shalt  }
.Lfunc_end1:
_tile_overlayer_lowered:
.L_overlay_start_2:
0x43: {  	(tag) =	ssettag $0x2  }
0x44: {  	s0 =	rddreg [dreg:$0x0];
	s2 =	stileid.u32  }
0x45: {  	s1 =	rddreg [dreg:$0x1];
	p0 =	sne.s32 s2, $0x0  }
0x46: {  	s3 =	rddreg [dreg:$0x2];
	[bflag:$0x3] =	sbarrier.arrive $0xFFFF;
	s2 =	simm.s32 @!p0 $0x1C01  }
0x47: {  	[timem:s3], [sflag:s2] =	dma.local @!p0 [hbm:s0], s1  }
0x48: {  	s0 =	simm.s32 @!p0 $0x1  }
0x49: {  	_ =	swait.ge @!p0 [sflag:s0], s1  }
0x4a: {  	s1 =	ssub.s32 @!p0 $0x0, s1;
	[sflag:s0] =	ssyncset.done @!p0 $0x0  }
0x4b: {  	[sflag:s0] =	ssyncadd.s32 @!p0 s1  }
0x4c: {  	[bflag:$0x3] =	sbarrier.arrive $0xFFFF  }
0x4d: {  	_ =	shalt  }

</sc_bundles>
